<compile_context>
chip_gen: v7x
topology: tpu7x:2x2x1
jax: 0.10.2.dev20260603
libtpu: 0.0.44.dev20260713+nightly
codegen_flags: <defaults>
</compile_context>

<pallas_src>
import functools

import jax
import jax.numpy as jnp
from jax import lax
from jax.experimental import pallas as pl
from jax.experimental.pallas import tpu as pltpu
from jax.experimental.pallas import tpu_sc as plsc

NUM_ROWS = 1001
HIDDEN = 128
BATCH = 16384

_info = plsc.get_sparse_core_info()
_NC, _NS = _info.num_cores, _info.num_subcores
NW = _NC * _NS
B_PER_W = BATCH // NW
IDX_MINOR = 128
NROW = B_PER_W // IDX_MINOR
CHUNK = 64
SPLIT = IDX_MINOR // CHUNK
NCHUNK = NROW * SPLIT
STAGE_ROWS = 64

_mesh = plsc.VectorSubcoreMesh(core_axis_name="c", subcore_axis_name="s")


@functools.partial(
    pl.kernel,
    mesh=_mesh,
    out_type=jax.ShapeDtypeStruct((BATCH, HIDDEN), jnp.float32),
    scratch_types=[
        pltpu.VMEM((NROW, IDX_MINOR), jnp.int32),
        pltpu.VMEM((B_PER_W, HIDDEN), jnp.float32),
        pltpu.VMEM_SHARED((NUM_ROWS, HIDDEN), jnp.float32),
        pltpu.SemaphoreType.DMA((NCHUNK,)),
        pltpu.SemaphoreType.DMA,
    ],
)
def _gather_kernel(labels_hbm, table_hbm, out_hbm, idx_v, rows_v, table_sh,
                   gsems, osem):
    sid = lax.axis_index("s")
    wid = sid * _NC + lax.axis_index("c")
    base = wid * B_PER_W
    lbl_cp = pltpu.async_copy(labels_hbm.at[wid], idx_v, osem)
    row0 = sid * STAGE_ROWS

    @pl.when(sid < _NS - 1)
    def _stage_full():
        pltpu.sync_copy(table_hbm.at[pl.ds(row0, STAGE_ROWS)],
                        table_sh.at[pl.ds(row0, STAGE_ROWS)])

    @pl.when(sid == _NS - 1)
    def _stage_tail():
        tail = NUM_ROWS - (_NS - 1) * STAGE_ROWS
        pltpu.sync_copy(table_hbm.at[pl.ds((_NS - 1) * STAGE_ROWS, tail)],
                        table_sh.at[pl.ds((_NS - 1) * STAGE_ROWS, tail)])

    plsc.subcore_barrier()
    lbl_cp.wait()
    gathers = []
    for c in range(NCHUNK):
        gathers.append(
            pltpu.async_copy(
                table_sh.at[idx_v.at[c // SPLIT, pl.ds((c % SPLIT) * CHUNK,
                                                       CHUNK)]],
                rows_v.at[pl.ds(c * CHUNK, CHUNK)],
                gsems.at[c],
            )
        )
    stores = []
    for c in range(NCHUNK):
        gathers[c].wait()
        stores.append(
            pltpu.async_copy(
                rows_v.at[pl.ds(c * CHUNK, CHUNK)],
                out_hbm.at[pl.ds(base + c * CHUNK, CHUNK)],
                osem,
            )
        )
    for cp in stores:
        cp.wait()


def kernel(labels, embedding_table):
    labels = labels.astype(jnp.int32).reshape(NW, NROW, IDX_MINOR)
    return _gather_kernel(labels, embedding_table)

# --- scband reference (transcript-rebuilt; emitter-appended) ---
"""Pipeline reference for scband-label-embedder-84129819394115 (READ-ONLY COPY).

The authoritative reference and input builder live on the scoring server;
editing this copy changes nothing except your own understanding.
"""

import jax, jax.numpy as jnp
import numpy as np

NUM_CLASSES = 1000
HIDDEN_SIZE = 128
DROPOUT_PROB = 0.1
BATCH = 16384

# use_cfg_embedding = int(dropout_prob > 0) -> table has NUM_CLASSES + 1 rows
NUM_EMBEDDINGS = NUM_CLASSES + int(DROPOUT_PROB > 0)


def setup_inputs(seed: int = 0) -> dict:
    key = jax.random.key(seed)
    k1, k2 = jax.random.split(key)
    labels = jax.random.randint(k1, (BATCH,), 0, NUM_CLASSES)
    # nn.Embed default init is variance-scaling-like normal; emulate with scaled normal
    embedding_table = jax.random.normal(k2, (NUM_EMBEDDINGS, HIDDEN_SIZE), dtype=jnp.float32) * 0.02
    return {"labels": labels, "embedding_table": embedding_table}


def reference(labels, embedding_table):
    # Eval path: train=False and force_drop_ids=None -> no token_drop applied.
    labels = labels.astype(jnp.int32)
    embeddings = jnp.take(embedding_table, labels, axis=0)
    return embeddings

if __name__ == "__main__":
    import jax
    _d = setup_inputs()
    print(jax.jit(kernel)(*tuple(_d.values())))

</pallas_src>

<mosaic_0001>
#map = affine_map<(d0, d1) -> (0, 0, 0)>
#map1 = affine_map<(d0, d1) -> (0, 0)>
module attributes {stable_mosaic.version = 14 : i64} {
  func.func @_gather_kernel(%arg0: i32, %arg1: i32, %arg2: memref<32x4x128xi32, #tpu.memory_space<hbm>>, %arg3: memref<1001x128xf32, #tpu.memory_space<hbm>>, %arg4: memref<16384x128xf32, #tpu.memory_space<hbm>>, %arg5: memref<4x128xi32, #tpu.memory_space<vmem>>, %arg6: memref<512x128xf32, #tpu.memory_space<vmem>>, %arg7: memref<1001x128xf32, #tpu.memory_space<vmem_shared>>, %arg8: memref<8x!tpu.dma_semaphore, #tpu.memory_space<semaphore_mem>>, %arg9: memref<!tpu.dma_semaphore, #tpu.memory_space<semaphore_mem>>) attributes {dimension_semantics = [#tpu.dimension_semantics<core_parallel>, #tpu.dimension_semantics<subcore_parallel>], iteration_bounds = array<i64: 2, 16>, scalar_prefetch = 0 : i64, scratch_operands = 5 : i64, tpu.core_type = #tpu.core_type<sc_vector_subcore>, window_params = [{transform_indices = #map}, {transform_indices = #map1}, {transform_indices = #map1}]} {
    %mul3A = arith.constant 2 : i32
    %mul3A_0 = arith.muli %arg1, %mul3A : i32
    %add3A = arith.addi %mul3A_0, %arg0 : i32
    %mul3A_1 = arith.constant 512 : i32
    %mul3A_2 = arith.muli %add3A, %mul3A_1 : i32
    %dma_start3A = arith.constant 0 : i32
    %dma_start3A_3 = arith.constant 0 : i32
    %dma_start3A_4 = tpu.memref_slice %arg2[%add3A, %dma_start3A, %dma_start3A_3] : memref<32x4x128xi32, #tpu.memory_space<hbm>> -> memref<1x4x128xi32, #tpu.memory_space<hbm>>
    %dma_start3A_5 = tpu.memref_squeeze %dma_start3A_4 : memref<1x4x128xi32, #tpu.memory_space<hbm>> -> memref<4x128xi32, #tpu.memory_space<hbm>>
    %dma_start3A_6 = arith.constant 0 : i32
    %dma_start3A_7 = arith.constant 0 : i32
    %dma_start3A_8 = tpu.memref_slice %arg2[%add3A, %dma_start3A_6, %dma_start3A_7] : memref<32x4x128xi32, #tpu.memory_space<hbm>> -> memref<1x4x128xi32, #tpu.memory_space<hbm>>
    %dma_start3A_9 = tpu.memref_squeeze %dma_start3A_8 : memref<1x4x128xi32, #tpu.memory_space<hbm>> -> memref<4x128xi32, #tpu.memory_space<hbm>>
    tpu.enqueue_dma source(%dma_start3A_9 : memref<4x128xi32, #tpu.memory_space<hbm>>) target(%arg5 : memref<4x128xi32, #tpu.memory_space<vmem>>) target_semaphore(%arg9 : memref<!tpu.dma_semaphore, #tpu.memory_space<semaphore_mem>>)
    %mul3A_10 = arith.constant 64 : i32
    %mul3A_11 = arith.muli %arg1, %mul3A_10 : i32
    %lt3A = arith.constant 15 : i32
    %lt3A_12 = arith.cmpi slt, %arg1, %lt3A : i32
    %convert_element_type3A = arith.extui %lt3A_12 : i1 to i32
    %cond3A = arith.constant 0 : i32
    %cond3A_13 = arith.cmpi ne, %convert_element_type3A, %cond3A : i32
    scf.if %cond3A_13 {
      "tpu.region"() ({
        %run_scoped3A = tpu.sem_alloc : memref<!tpu.dma_semaphore, #tpu.memory_space<semaphore_mem>>
        %dma_start3A_409 = arith.constant 0 : i32
        %dma_start3A_410 = tpu.memref_slice %arg7[%mul3A_11, %dma_start3A_409] : memref<1001x128xf32, #tpu.memory_space<vmem_shared>> -> memref<64x128xf32, #tpu.memory_space<vmem_shared>>
        %dma_start3A_411 = arith.constant 0 : i32
        %dma_start3A_412 = tpu.memref_slice %arg3[%mul3A_11, %dma_start3A_411] : memref<1001x128xf32, #tpu.memory_space<hbm>> -> memref<64x128xf32, #tpu.memory_space<hbm>>
        tpu.enqueue_dma source(%dma_start3A_412 : memref<64x128xf32, #tpu.memory_space<hbm>>) target(%dma_start3A_410 : memref<64x128xf32, #tpu.memory_space<vmem_shared>>) target_semaphore(%run_scoped3A : memref<!tpu.dma_semaphore, #tpu.memory_space<semaphore_mem>>)
        %dma_wait3A_413 = arith.constant 0 : i32
        %dma_wait3A_414 = tpu.memref_slice %arg7[%mul3A_11, %dma_wait3A_413] : memref<1001x128xf32, #tpu.memory_space<vmem_shared>> -> memref<64x128xf32, #tpu.memory_space<vmem_shared>>
        %dma_wait3A_415 = arith.constant 0 : i32
        %dma_wait3A_416 = tpu.memref_slice %arg3[%mul3A_11, %dma_wait3A_415] : memref<1001x128xf32, #tpu.memory_space<hbm>> -> memref<64x128xf32, #tpu.memory_space<hbm>>
        tpu.wait_dma2 semaphore(%run_scoped3A : memref<!tpu.dma_semaphore, #tpu.memory_space<semaphore_mem>>) src(%dma_wait3A_416 : memref<64x128xf32, #tpu.memory_space<hbm>>) dst(%dma_wait3A_414 : memref<64x128xf32, #tpu.memory_space<vmem_shared>>)
        tpu.yield
      }) : () -> ()
    } else {
    }
    %eq3A = arith.constant 15 : i32
    %eq3A_14 = arith.cmpi eq, %arg1, %eq3A : i32
    %convert_element_type3A_15 = arith.extui %eq3A_14 : i1 to i32
    %cond3A_16 = arith.constant 0 : i32
    %cond3A_17 = arith.cmpi ne, %convert_element_type3A_15, %cond3A_16 : i32
    scf.if %cond3A_17 {
      "tpu.region"() ({
        %run_scoped3A = tpu.sem_alloc : memref<!tpu.dma_semaphore, #tpu.memory_space<semaphore_mem>>
        %dma_start3A_409 = arith.constant 960 : i32
        %dma_start3A_410 = arith.constant 0 : i32
        %dma_start3A_411 = tpu.memref_slice %arg7[%dma_start3A_409, %dma_start3A_410] : memref<1001x128xf32, #tpu.memory_space<vmem_shared>> -> memref<41x128xf32, #tpu.memory_space<vmem_shared>>
        %dma_start3A_412 = arith.constant 960 : i32
        %dma_start3A_413 = arith.constant 0 : i32
        %dma_start3A_414 = tpu.memref_slice %arg3[%dma_start3A_412, %dma_start3A_413] : memref<1001x128xf32, #tpu.memory_space<hbm>> -> memref<41x128xf32, #tpu.memory_space<hbm>>
        tpu.enqueue_dma source(%dma_start3A_414 : memref<41x128xf32, #tpu.memory_space<hbm>>) target(%dma_start3A_411 : memref<41x128xf32, #tpu.memory_space<vmem_shared>>) target_semaphore(%run_scoped3A : memref<!tpu.dma_semaphore, #tpu.memory_space<semaphore_mem>>)
        %dma_wait3A_415 = arith.constant 960 : i32
        %dma_wait3A_416 = arith.constant 0 : i32
        %dma_wait3A_417 = tpu.memref_slice %arg7[%dma_wait3A_415, %dma_wait3A_416] : memref<1001x128xf32, #tpu.memory_space<vmem_shared>> -> memref<41x128xf32, #tpu.memory_space<vmem_shared>>
        %dma_wait3A_418 = arith.constant 960 : i32
        %dma_wait3A_419 = arith.constant 0 : i32
        %dma_wait3A_420 = tpu.memref_slice %arg3[%dma_wait3A_418, %dma_wait3A_419] : memref<1001x128xf32, #tpu.memory_space<hbm>> -> memref<41x128xf32, #tpu.memory_space<hbm>>
        tpu.wait_dma2 semaphore(%run_scoped3A : memref<!tpu.dma_semaphore, #tpu.memory_space<semaphore_mem>>) src(%dma_wait3A_420 : memref<41x128xf32, #tpu.memory_space<hbm>>) dst(%dma_wait3A_417 : memref<41x128xf32, #tpu.memory_space<vmem_shared>>)
        tpu.yield
      }) : () -> ()
    } else {
    }
    %barrier3A = arith.constant 0 : index
    tpu.barrier barrier_id(%barrier3A)
    %dma_wait3A = arith.constant 0 : i32
    %dma_wait3A_18 = arith.constant 0 : i32
    %dma_wait3A_19 = tpu.memref_slice %arg2[%add3A, %dma_wait3A, %dma_wait3A_18] : memref<32x4x128xi32, #tpu.memory_space<hbm>> -> memref<1x4x128xi32, #tpu.memory_space<hbm>>
    %dma_wait3A_20 = tpu.memref_squeeze %dma_wait3A_19 : memref<1x4x128xi32, #tpu.memory_space<hbm>> -> memref<4x128xi32, #tpu.memory_space<hbm>>
    %dma_wait3A_21 = arith.constant 0 : i32
    %dma_wait3A_22 = arith.constant 0 : i32
    %dma_wait3A_23 = tpu.memref_slice %arg2[%add3A, %dma_wait3A_21, %dma_wait3A_22] : memref<32x4x128xi32, #tpu.memory_space<hbm>> -> memref<1x4x128xi32, #tpu.memory_space<hbm>>
    %dma_wait3A_24 = tpu.memref_squeeze %dma_wait3A_23 : memref<1x4x128xi32, #tpu.memory_space<hbm>> -> memref<4x128xi32, #tpu.memory_space<hbm>>
    tpu.wait_dma2 semaphore(%arg9 : memref<!tpu.dma_semaphore, #tpu.memory_space<semaphore_mem>>) src(%dma_wait3A_24 : memref<4x128xi32, #tpu.memory_space<hbm>>) dst(%arg5 : memref<4x128xi32, #tpu.memory_space<vmem>>)
    %dma_start3A_25 = arith.constant 0 : i32
    %dma_start3A_26 = arith.constant 0 : i32
    %dma_start3A_27 = arith.constant 0 : i32
    %dma_start3A_28 = arith.constant 0 : i32
    %dma_start3A_29 = tpu.memref_slice %arg6[%dma_start3A_27, %dma_start3A_28] : memref<512x128xf32, #tpu.memory_space<vmem>> -> memref<64x128xf32, #tpu.memory_space<vmem>>
    %dma_start3A_30 = arith.constant 0 : i32
    %dma_start3A_31 = tpu.memref_slice %arg5[%dma_start3A_25, %dma_start3A_30] : memref<4x128xi32, #tpu.memory_space<vmem>> -> memref<1x64xi32, #tpu.memory_space<vmem>>
    %dma_start3A_32 = tpu.memref_squeeze %dma_start3A_31 : memref<1x64xi32, #tpu.memory_space<vmem>> -> memref<64xi32, #tpu.memory_space<vmem>>
    %dma_start3A_33 = arith.constant 0 : i32
    %dma_start3A_34 = arith.constant 0 : i32
    %dma_start3A_35 = tpu.memref_slice %arg7[%dma_start3A_33, %dma_start3A_34] : memref<1001x128xf32, #tpu.memory_space<vmem_shared>> -> memref<1001x128xf32, #tpu.memory_space<vmem_shared>>
    %dma_start3A_36 = tpu.memref_slice %arg8[%dma_start3A_26] : memref<8x!tpu.dma_semaphore, #tpu.memory_space<semaphore_mem>> -> memref<1x!tpu.dma_semaphore, #tpu.memory_space<semaphore_mem>>
    %dma_start3A_37 = tpu.memref_squeeze %dma_start3A_36 : memref<1x!tpu.dma_semaphore, #tpu.memory_space<semaphore_mem>> -> memref<!tpu.dma_semaphore, #tpu.memory_space<semaphore_mem>>
    tpu.enqueue_indirect_dma source(%dma_start3A_35 : memref<1001x128xf32, #tpu.memory_space<vmem_shared>>) target(%dma_start3A_29 : memref<64x128xf32, #tpu.memory_space<vmem>>) offsets(%dma_start3A_32 : memref<64xi32, #tpu.memory_space<vmem>>) semaphore(%dma_start3A_37 : memref<!tpu.dma_semaphore, #tpu.memory_space<semaphore_mem>>)
    %dma_start3A_38 = arith.constant 0 : i32
    %dma_start3A_39 = arith.constant 1 : i32
    %dma_start3A_40 = arith.constant 64 : i32
    %dma_start3A_41 = arith.constant 0 : i32
    %dma_start3A_42 = tpu.memref_slice %arg6[%dma_start3A_40, %dma_start3A_41] : memref<512x128xf32, #tpu.memory_space<vmem>> -> memref<64x128xf32, #tpu.memory_space<vmem>>
    %dma_start3A_43 = arith.constant 64 : i32
    %dma_start3A_44 = tpu.memref_slice %arg5[%dma_start3A_38, %dma_start3A_43] : memref<4x128xi32, #tpu.memory_space<vmem>> -> memref<1x64xi32, #tpu.memory_space<vmem>>
    %dma_start3A_45 = tpu.memref_squeeze %dma_start3A_44 : memref<1x64xi32, #tpu.memory_space<vmem>> -> memref<64xi32, #tpu.memory_space<vmem>>
    %dma_start3A_46 = arith.constant 0 : i32
    %dma_start3A_47 = arith.constant 0 : i32
    %dma_start3A_48 = tpu.memref_slice %arg7[%dma_start3A_46, %dma_start3A_47] : memref<1001x128xf32, #tpu.memory_space<vmem_shared>> -> memref<1001x128xf32, #tpu.memory_space<vmem_shared>>
    %dma_start3A_49 = tpu.memref_slice %arg8[%dma_start3A_39] : memref<8x!tpu.dma_semaphore, #tpu.memory_space<semaphore_mem>> -> memref<1x!tpu.dma_semaphore, #tpu.memory_space<semaphore_mem>>
    %dma_start3A_50 = tpu.memref_squeeze %dma_start3A_49 : memref<1x!tpu.dma_semaphore, #tpu.memory_space<semaphore_mem>> -> memref<!tpu.dma_semaphore, #tpu.memory_space<semaphore_mem>>
    tpu.enqueue_indirect_dma source(%dma_start3A_48 : memref<1001x128xf32, #tpu.memory_space<vmem_shared>>) target(%dma_start3A_42 : memref<64x128xf32, #tpu.memory_space<vmem>>) offsets(%dma_start3A_45 : memref<64xi32, #tpu.memory_space<vmem>>) semaphore(%dma_start3A_50 : memref<!tpu.dma_semaphore, #tpu.memory_space<semaphore_mem>>)
    %dma_start3A_51 = arith.constant 1 : i32
    %dma_start3A_52 = arith.constant 2 : i32
    %dma_start3A_53 = arith.constant 128 : i32
    %dma_start3A_54 = arith.constant 0 : i32
    %dma_start3A_55 = tpu.memref_slice %arg6[%dma_start3A_53, %dma_start3A_54] : memref<512x128xf32, #tpu.memory_space<vmem>> -> memref<64x128xf32, #tpu.memory_space<vmem>>
    %dma_start3A_56 = arith.constant 0 : i32
    %dma_start3A_57 = tpu.memref_slice %arg5[%dma_start3A_51, %dma_start3A_56] : memref<4x128xi32, #tpu.memory_space<vmem>> -> memref<1x64xi32, #tpu.memory_space<vmem>>
    %dma_start3A_58 = tpu.memref_squeeze %dma_start3A_57 : memref<1x64xi32, #tpu.memory_space<vmem>> -> memref<64xi32, #tpu.memory_space<vmem>>
    %dma_start3A_59 = arith.constant 0 : i32
    %dma_start3A_60 = arith.constant 0 : i32
    %dma_start3A_61 = tpu.memref_slice %arg7[%dma_start3A_59, %dma_start3A_60] : memref<1001x128xf32, #tpu.memory_space<vmem_shared>> -> memref<1001x128xf32, #tpu.memory_space<vmem_shared>>
    %dma_start3A_62 = tpu.memref_slice %arg8[%dma_start3A_52] : memref<8x!tpu.dma_semaphore, #tpu.memory_space<semaphore_mem>> -> memref<1x!tpu.dma_semaphore, #tpu.memory_space<semaphore_mem>>
    %dma_start3A_63 = tpu.memref_squeeze %dma_start3A_62 : memref<1x!tpu.dma_semaphore, #tpu.memory_space<semaphore_mem>> -> memref<!tpu.dma_semaphore, #tpu.memory_space<semaphore_mem>>
    tpu.enqueue_indirect_dma source(%dma_start3A_61 : memref<1001x128xf32, #tpu.memory_space<vmem_shared>>) target(%dma_start3A_55 : memref<64x128xf32, #tpu.memory_space<vmem>>) offsets(%dma_start3A_58 : memref<64xi32, #tpu.memory_space<vmem>>) semaphore(%dma_start3A_63 : memref<!tpu.dma_semaphore, #tpu.memory_space<semaphore_mem>>)
    %dma_start3A_64 = arith.constant 1 : i32
    %dma_start3A_65 = arith.constant 3 : i32
    %dma_start3A_66 = arith.constant 192 : i32
    %dma_start3A_67 = arith.constant 0 : i32
    %dma_start3A_68 = tpu.memref_slice %arg6[%dma_start3A_66, %dma_start3A_67] : memref<512x128xf32, #tpu.memory_space<vmem>> -> memref<64x128xf32, #tpu.memory_space<vmem>>
    %dma_start3A_69 = arith.constant 64 : i32
    %dma_start3A_70 = tpu.memref_slice %arg5[%dma_start3A_64, %dma_start3A_69] : memref<4x128xi32, #tpu.memory_space<vmem>> -> memref<1x64xi32, #tpu.memory_space<vmem>>
    %dma_start3A_71 = tpu.memref_squeeze %dma_start3A_70 : memref<1x64xi32, #tpu.memory_space<vmem>> -> memref<64xi32, #tpu.memory_space<vmem>>
    %dma_start3A_72 = arith.constant 0 : i32
    %dma_start3A_73 = arith.constant 0 : i32
    %dma_start3A_74 = tpu.memref_slice %arg7[%dma_start3A_72, %dma_start3A_73] : memref<1001x128xf32, #tpu.memory_space<vmem_shared>> -> memref<1001x128xf32, #tpu.memory_space<vmem_shared>>
    %dma_start3A_75 = tpu.memref_slice %arg8[%dma_start3A_65] : memref<8x!tpu.dma_semaphore, #tpu.memory_space<semaphore_mem>> -> memref<1x!tpu.dma_semaphore, #tpu.memory_space<semaphore_mem>>
    %dma_start3A_76 = tpu.memref_squeeze %dma_start3A_75 : memref<1x!tpu.dma_semaphore, #tpu.memory_space<semaphore_mem>> -> memref<!tpu.dma_semaphore, #tpu.memory_space<semaphore_mem>>
    tpu.enqueue_indirect_dma source(%dma_start3A_74 : memref<1001x128xf32, #tpu.memory_space<vmem_shared>>) target(%dma_start3A_68 : memref<64x128xf32, #tpu.memory_space<vmem>>) offsets(%dma_start3A_71 : memref<64xi32, #tpu.memory_space<vmem>>) semaphore(%dma_start3A_76 : memref<!tpu.dma_semaphore, #tpu.memory_space<semaphore_mem>>)
    %dma_start3A_77 = arith.constant 2 : i32
    %dma_start3A_78 = arith.constant 4 : i32
    %dma_start3A_79 = arith.constant 256 : i32
    %dma_start3A_80 = arith.constant 0 : i32
    %dma_start3A_81 = tpu.memref_slice %arg6[%dma_start3A_79, %dma_start3A_80] : memref<512x128xf32, #tpu.memory_space<vmem>> -> memref<64x128xf32, #tpu.memory_space<vmem>>
    %dma_start3A_82 = arith.constant 0 : i32
    %dma_start3A_83 = tpu.memref_slice %arg5[%dma_start3A_77, %dma_start3A_82] : memref<4x128xi32, #tpu.memory_space<vmem>> -> memref<1x64xi32, #tpu.memory_space<vmem>>
    %dma_start3A_84 = tpu.memref_squeeze %dma_start3A_83 : memref<1x64xi32, #tpu.memory_space<vmem>> -> memref<64xi32, #tpu.memory_space<vmem>>
    %dma_start3A_85 = arith.constant 0 : i32
    %dma_start3A_86 = arith.constant 0 : i32
    %dma_start3A_87 = tpu.memref_slice %arg7[%dma_start3A_85, %dma_start3A_86] : memref<1001x128xf32, #tpu.memory_space<vmem_shared>> -> memref<1001x128xf32, #tpu.memory_space<vmem_shared>>
    %dma_start3A_88 = tpu.memref_slice %arg8[%dma_start3A_78] : memref<8x!tpu.dma_semaphore, #tpu.memory_space<semaphore_mem>> -> memref<1x!tpu.dma_semaphore, #tpu.memory_space<semaphore_mem>>
    %dma_start3A_89 = tpu.memref_squeeze %dma_start3A_88 : memref<1x!tpu.dma_semaphore, #tpu.memory_space<semaphore_mem>> -> memref<!tpu.dma_semaphore, #tpu.memory_space<semaphore_mem>>
    tpu.enqueue_indirect_dma source(%dma_start3A_87 : memref<1001x128xf32, #tpu.memory_space<vmem_shared>>) target(%dma_start3A_81 : memref<64x128xf32, #tpu.memory_space<vmem>>) offsets(%dma_start3A_84 : memref<64xi32, #tpu.memory_space<vmem>>) semaphore(%dma_start3A_89 : memref<!tpu.dma_semaphore, #tpu.memory_space<semaphore_mem>>)
    %dma_start3A_90 = arith.constant 2 : i32
    %dma_start3A_91 = arith.constant 5 : i32
    %dma_start3A_92 = arith.constant 320 : i32
    %dma_start3A_93 = arith.constant 0 : i32
    %dma_start3A_94 = tpu.memref_slice %arg6[%dma_start3A_92, %dma_start3A_93] : memref<512x128xf32, #tpu.memory_space<vmem>> -> memref<64x128xf32, #tpu.memory_space<vmem>>
    %dma_start3A_95 = arith.constant 64 : i32
    %dma_start3A_96 = tpu.memref_slice %arg5[%dma_start3A_90, %dma_start3A_95] : memref<4x128xi32, #tpu.memory_space<vmem>> -> memref<1x64xi32, #tpu.memory_space<vmem>>
    %dma_start3A_97 = tpu.memref_squeeze %dma_start3A_96 : memref<1x64xi32, #tpu.memory_space<vmem>> -> memref<64xi32, #tpu.memory_space<vmem>>
    %dma_start3A_98 = arith.constant 0 : i32
    %dma_start3A_99 = arith.constant 0 : i32
    %dma_start3A_100 = tpu.memref_slice %arg7[%dma_start3A_98, %dma_start3A_99] : memref<1001x128xf32, #tpu.memory_space<vmem_shared>> -> memref<1001x128xf32, #tpu.memory_space<vmem_shared>>
    %dma_start3A_101 = tpu.memref_slice %arg8[%dma_start3A_91] : memref<8x!tpu.dma_semaphore, #tpu.memory_space<semaphore_mem>> -> memref<1x!tpu.dma_semaphore, #tpu.memory_space<semaphore_mem>>
    %dma_start3A_102 = tpu.memref_squeeze %dma_start3A_101 : memref<1x!tpu.dma_semaphore, #tpu.memory_space<semaphore_mem>> -> memref<!tpu.dma_semaphore, #tpu.memory_space<semaphore_mem>>
    tpu.enqueue_indirect_dma source(%dma_start3A_100 : memref<1001x128xf32, #tpu.memory_space<vmem_shared>>) target(%dma_start3A_94 : memref<64x128xf32, #tpu.memory_space<vmem>>) offsets(%dma_start3A_97 : memref<64xi32, #tpu.memory_space<vmem>>) semaphore(%dma_start3A_102 : memref<!tpu.dma_semaphore, #tpu.memory_space<semaphore_mem>>)
    %dma_start3A_103 = arith.constant 3 : i32
    %dma_start3A_104 = arith.constant 6 : i32
    %dma_start3A_105 = arith.constant 384 : i32
    %dma_start3A_106 = arith.constant 0 : i32
    %dma_start3A_107 = tpu.memref_slice %arg6[%dma_start3A_105, %dma_start3A_106] : memref<512x128xf32, #tpu.memory_space<vmem>> -> memref<64x128xf32, #tpu.memory_space<vmem>>
    %dma_start3A_108 = arith.constant 0 : i32
    %dma_start3A_109 = tpu.memref_slice %arg5[%dma_start3A_103, %dma_start3A_108] : memref<4x128xi32, #tpu.memory_space<vmem>> -> memref<1x64xi32, #tpu.memory_space<vmem>>
    %dma_start3A_110 = tpu.memref_squeeze %dma_start3A_109 : memref<1x64xi32, #tpu.memory_space<vmem>> -> memref<64xi32, #tpu.memory_space<vmem>>
    %dma_start3A_111 = arith.constant 0 : i32
    %dma_start3A_112 = arith.constant 0 : i32
    %dma_start3A_113 = tpu.memref_slice %arg7[%dma_start3A_111, %dma_start3A_112] : memref<1001x128xf32, #tpu.memory_space<vmem_shared>> -> memref<1001x128xf32, #tpu.memory_space<vmem_shared>>
    %dma_start3A_114 = tpu.memref_slice %arg8[%dma_start3A_104] : memref<8x!tpu.dma_semaphore, #tpu.memory_space<semaphore_mem>> -> memref<1x!tpu.dma_semaphore, #tpu.memory_space<semaphore_mem>>
    %dma_start3A_115 = tpu.memref_squeeze %dma_start3A_114 : memref<1x!tpu.dma_semaphore, #tpu.memory_space<semaphore_mem>> -> memref<!tpu.dma_semaphore, #tpu.memory_space<semaphore_mem>>
    tpu.enqueue_indirect_dma source(%dma_start3A_113 : memref<1001x128xf32, #tpu.memory_space<vmem_shared>>) target(%dma_start3A_107 : memref<64x128xf32, #tpu.memory_space<vmem>>) offsets(%dma_start3A_110 : memref<64xi32, #tpu.memory_space<vmem>>) semaphore(%dma_start3A_115 : memref<!tpu.dma_semaphore, #tpu.memory_space<semaphore_mem>>)
    %dma_start3A_116 = arith.constant 3 : i32
    %dma_start3A_117 = arith.constant 7 : i32
    %dma_start3A_118 = arith.constant 448 : i32
    %dma_start3A_119 = arith.constant 0 : i32
    %dma_start3A_120 = tpu.memref_slice %arg6[%dma_start3A_118, %dma_start3A_119] : memref<512x128xf32, #tpu.memory_space<vmem>> -> memref<64x128xf32, #tpu.memory_space<vmem>>
    %dma_start3A_121 = arith.constant 64 : i32
    %dma_start3A_122 = tpu.memref_slice %arg5[%dma_start3A_116, %dma_start3A_121] : memref<4x128xi32, #tpu.memory_space<vmem>> -> memref<1x64xi32, #tpu.memory_space<vmem>>
    %dma_start3A_123 = tpu.memref_squeeze %dma_start3A_122 : memref<1x64xi32, #tpu.memory_space<vmem>> -> memref<64xi32, #tpu.memory_space<vmem>>
    %dma_start3A_124 = arith.constant 0 : i32
    %dma_start3A_125 = arith.constant 0 : i32
    %dma_start3A_126 = tpu.memref_slice %arg7[%dma_start3A_124, %dma_start3A_125] : memref<1001x128xf32, #tpu.memory_space<vmem_shared>> -> memref<1001x128xf32, #tpu.memory_space<vmem_shared>>
    %dma_start3A_127 = tpu.memref_slice %arg8[%dma_start3A_117] : memref<8x!tpu.dma_semaphore, #tpu.memory_space<semaphore_mem>> -> memref<1x!tpu.dma_semaphore, #tpu.memory_space<semaphore_mem>>
    %dma_start3A_128 = tpu.memref_squeeze %dma_start3A_127 : memref<1x!tpu.dma_semaphore, #tpu.memory_space<semaphore_mem>> -> memref<!tpu.dma_semaphore, #tpu.memory_space<semaphore_mem>>
    tpu.enqueue_indirect_dma source(%dma_start3A_126 : memref<1001x128xf32, #tpu.memory_space<vmem_shared>>) target(%dma_start3A_120 : memref<64x128xf32, #tpu.memory_space<vmem>>) offsets(%dma_start3A_123 : memref<64xi32, #tpu.memory_space<vmem>>) semaphore(%dma_start3A_128 : memref<!tpu.dma_semaphore, #tpu.memory_space<semaphore_mem>>)
    %dma_wait3A_129 = arith.constant 0 : i32
    %dma_wait3A_130 = arith.constant 0 : i32
    %dma_wait3A_131 = arith.constant 0 : i32
    %dma_wait3A_132 = arith.constant 0 : i32
    %dma_wait3A_133 = tpu.memref_slice %arg6[%dma_wait3A_131, %dma_wait3A_132] : memref<512x128xf32, #tpu.memory_space<vmem>> -> memref<64x128xf32, #tpu.memory_space<vmem>>
    %dma_wait3A_134 = arith.constant 0 : i32
    %dma_wait3A_135 = tpu.memref_slice %arg5[%dma_wait3A_129, %dma_wait3A_134] : memref<4x128xi32, #tpu.memory_space<vmem>> -> memref<1x64xi32, #tpu.memory_space<vmem>>
    %dma_wait3A_136 = tpu.memref_squeeze %dma_wait3A_135 : memref<1x64xi32, #tpu.memory_space<vmem>> -> memref<64xi32, #tpu.memory_space<vmem>>
    %dma_wait3A_137 = arith.constant 0 : i32
    %dma_wait3A_138 = arith.constant 0 : i32
    %dma_wait3A_139 = tpu.memref_slice %arg7[%dma_wait3A_137, %dma_wait3A_138] : memref<1001x128xf32, #tpu.memory_space<vmem_shared>> -> memref<1001x128xf32, #tpu.memory_space<vmem_shared>>
    %dma_wait3A_140 = tpu.memref_slice %arg8[%dma_wait3A_130] : memref<8x!tpu.dma_semaphore, #tpu.memory_space<semaphore_mem>> -> memref<1x!tpu.dma_semaphore, #tpu.memory_space<semaphore_mem>>
    %dma_wait3A_141 = tpu.memref_squeeze %dma_wait3A_140 : memref<1x!tpu.dma_semaphore, #tpu.memory_space<semaphore_mem>> -> memref<!tpu.dma_semaphore, #tpu.memory_space<semaphore_mem>>
    tpu.wait_indirect_dma semaphore(%dma_wait3A_141 : memref<!tpu.dma_semaphore, #tpu.memory_space<semaphore_mem>>) src(%dma_wait3A_139 : memref<1001x128xf32, #tpu.memory_space<vmem_shared>>) dst(%dma_wait3A_133 : memref<64x128xf32, #tpu.memory_space<vmem>>)
    %add3A_142 = arith.constant 0 : i32
    %add3A_143 = arith.addi %mul3A_2, %add3A_142 : i32
    %dma_start3A_144 = arith.constant 0 : i32
    %dma_start3A_145 = arith.constant 0 : i32
    %dma_start3A_146 = tpu.memref_slice %arg6[%dma_start3A_144, %dma_start3A_145] : memref<512x128xf32, #tpu.memory_space<vmem>> -> memref<64x128xf32, #tpu.memory_space<vmem>>
    %dma_start3A_147 = arith.constant 0 : i32
    %dma_start3A_148 = tpu.memref_slice %arg4[%add3A_143, %dma_start3A_147] : memref<16384x128xf32, #tpu.memory_space<hbm>> -> memref<64x128xf32, #tpu.memory_space<hbm>>
    %dma_start3A_149 = arith.constant 0 : i32
    %dma_start3A_150 = tpu.memref_slice %arg4[%add3A_143, %dma_start3A_149] : memref<16384x128xf32, #tpu.memory_space<hbm>> -> memref<64x128xf32, #tpu.memory_space<hbm>>
    %dma_start3A_151 = arith.constant 0 : i32
    %dma_start3A_152 = arith.constant 0 : i32
    %dma_start3A_153 = tpu.memref_slice %arg6[%dma_start3A_151, %dma_start3A_152] : memref<512x128xf32, #tpu.memory_space<vmem>> -> memref<64x128xf32, #tpu.memory_space<vmem>>
    tpu.enqueue_dma source(%dma_start3A_153 : memref<64x128xf32, #tpu.memory_space<vmem>>) target(%dma_start3A_150 : memref<64x128xf32, #tpu.memory_space<hbm>>) target_semaphore(%arg9 : memref<!tpu.dma_semaphore, #tpu.memory_space<semaphore_mem>>)
    %dma_wait3A_154 = arith.constant 0 : i32
    %dma_wait3A_155 = arith.constant 1 : i32
    %dma_wait3A_156 = arith.constant 64 : i32
    %dma_wait3A_157 = arith.constant 0 : i32
    %dma_wait3A_158 = tpu.memref_slice %arg6[%dma_wait3A_156, %dma_wait3A_157] : memref<512x128xf32, #tpu.memory_space<vmem>> -> memref<64x128xf32, #tpu.memory_space<vmem>>
    %dma_wait3A_159 = arith.constant 64 : i32
    %dma_wait3A_160 = tpu.memref_slice %arg5[%dma_wait3A_154, %dma_wait3A_159] : memref<4x128xi32, #tpu.memory_space<vmem>> -> memref<1x64xi32, #tpu.memory_space<vmem>>
    %dma_wait3A_161 = tpu.memref_squeeze %dma_wait3A_160 : memref<1x64xi32, #tpu.memory_space<vmem>> -> memref<64xi32, #tpu.memory_space<vmem>>
    %dma_wait3A_162 = arith.constant 0 : i32
    %dma_wait3A_163 = arith.constant 0 : i32
    %dma_wait3A_164 = tpu.memref_slice %arg7[%dma_wait3A_162, %dma_wait3A_163] : memref<1001x128xf32, #tpu.memory_space<vmem_shared>> -> memref<1001x128xf32, #tpu.memory_space<vmem_shared>>
    %dma_wait3A_165 = tpu.memref_slice %arg8[%dma_wait3A_155] : memref<8x!tpu.dma_semaphore, #tpu.memory_space<semaphore_mem>> -> memref<1x!tpu.dma_semaphore, #tpu.memory_space<semaphore_mem>>
    %dma_wait3A_166 = tpu.memref_squeeze %dma_wait3A_165 : memref<1x!tpu.dma_semaphore, #tpu.memory_space<semaphore_mem>> -> memref<!tpu.dma_semaphore, #tpu.memory_space<semaphore_mem>>
    tpu.wait_indirect_dma semaphore(%dma_wait3A_166 : memref<!tpu.dma_semaphore, #tpu.memory_space<semaphore_mem>>) src(%dma_wait3A_164 : memref<1001x128xf32, #tpu.memory_space<vmem_shared>>) dst(%dma_wait3A_158 : memref<64x128xf32, #tpu.memory_space<vmem>>)
    %add3A_167 = arith.constant 64 : i32
    %add3A_168 = arith.addi %mul3A_2, %add3A_167 : i32
    %dma_start3A_169 = arith.constant 64 : i32
    %dma_start3A_170 = arith.constant 0 : i32
    %dma_start3A_171 = tpu.memref_slice %arg6[%dma_start3A_169, %dma_start3A_170] : memref<512x128xf32, #tpu.memory_space<vmem>> -> memref<64x128xf32, #tpu.memory_space<vmem>>
    %dma_start3A_172 = arith.constant 0 : i32
    %dma_start3A_173 = tpu.memref_slice %arg4[%add3A_168, %dma_start3A_172] : memref<16384x128xf32, #tpu.memory_space<hbm>> -> memref<64x128xf32, #tpu.memory_space<hbm>>
    %dma_start3A_174 = arith.constant 0 : i32
    %dma_start3A_175 = tpu.memref_slice %arg4[%add3A_168, %dma_start3A_174] : memref<16384x128xf32, #tpu.memory_space<hbm>> -> memref<64x128xf32, #tpu.memory_space<hbm>>
    %dma_start3A_176 = arith.constant 64 : i32
    %dma_start3A_177 = arith.constant 0 : i32
    %dma_start3A_178 = tpu.memref_slice %arg6[%dma_start3A_176, %dma_start3A_177] : memref<512x128xf32, #tpu.memory_space<vmem>> -> memref<64x128xf32, #tpu.memory_space<vmem>>
    tpu.enqueue_dma source(%dma_start3A_178 : memref<64x128xf32, #tpu.memory_space<vmem>>) target(%dma_start3A_175 : memref<64x128xf32, #tpu.memory_space<hbm>>) target_semaphore(%arg9 : memref<!tpu.dma_semaphore, #tpu.memory_space<semaphore_mem>>)
    %dma_wait3A_179 = arith.constant 1 : i32
    %dma_wait3A_180 = arith.constant 2 : i32
    %dma_wait3A_181 = arith.constant 128 : i32
    %dma_wait3A_182 = arith.constant 0 : i32
    %dma_wait3A_183 = tpu.memref_slice %arg6[%dma_wait3A_181, %dma_wait3A_182] : memref<512x128xf32, #tpu.memory_space<vmem>> -> memref<64x128xf32, #tpu.memory_space<vmem>>
    %dma_wait3A_184 = arith.constant 0 : i32
    %dma_wait3A_185 = tpu.memref_slice %arg5[%dma_wait3A_179, %dma_wait3A_184] : memref<4x128xi32, #tpu.memory_space<vmem>> -> memref<1x64xi32, #tpu.memory_space<vmem>>
    %dma_wait3A_186 = tpu.memref_squeeze %dma_wait3A_185 : memref<1x64xi32, #tpu.memory_space<vmem>> -> memref<64xi32, #tpu.memory_space<vmem>>
    %dma_wait3A_187 = arith.constant 0 : i32
    %dma_wait3A_188 = arith.constant 0 : i32
    %dma_wait3A_189 = tpu.memref_slice %arg7[%dma_wait3A_187, %dma_wait3A_188] : memref<1001x128xf32, #tpu.memory_space<vmem_shared>> -> memref<1001x128xf32, #tpu.memory_space<vmem_shared>>
    %dma_wait3A_190 = tpu.memref_slice %arg8[%dma_wait3A_180] : memref<8x!tpu.dma_semaphore, #tpu.memory_space<semaphore_mem>> -> memref<1x!tpu.dma_semaphore, #tpu.memory_space<semaphore_mem>>
    %dma_wait3A_191 = tpu.memref_squeeze %dma_wait3A_190 : memref<1x!tpu.dma_semaphore, #tpu.memory_space<semaphore_mem>> -> memref<!tpu.dma_semaphore, #tpu.memory_space<semaphore_mem>>
    tpu.wait_indirect_dma semaphore(%dma_wait3A_191 : memref<!tpu.dma_semaphore, #tpu.memory_space<semaphore_mem>>) src(%dma_wait3A_189 : memref<1001x128xf32, #tpu.memory_space<vmem_shared>>) dst(%dma_wait3A_183 : memref<64x128xf32, #tpu.memory_space<vmem>>)
    %add3A_192 = arith.constant 128 : i32
    %add3A_193 = arith.addi %mul3A_2, %add3A_192 : i32
    %dma_start3A_194 = arith.constant 128 : i32
    %dma_start3A_195 = arith.constant 0 : i32
    %dma_start3A_196 = tpu.memref_slice %arg6[%dma_start3A_194, %dma_start3A_195] : memref<512x128xf32, #tpu.memory_space<vmem>> -> memref<64x128xf32, #tpu.memory_space<vmem>>
    %dma_start3A_197 = arith.constant 0 : i32
    %dma_start3A_198 = tpu.memref_slice %arg4[%add3A_193, %dma_start3A_197] : memref<16384x128xf32, #tpu.memory_space<hbm>> -> memref<64x128xf32, #tpu.memory_space<hbm>>
    %dma_start3A_199 = arith.constant 0 : i32
    %dma_start3A_200 = tpu.memref_slice %arg4[%add3A_193, %dma_start3A_199] : memref<16384x128xf32, #tpu.memory_space<hbm>> -> memref<64x128xf32, #tpu.memory_space<hbm>>
    %dma_start3A_201 = arith.constant 128 : i32
    %dma_start3A_202 = arith.constant 0 : i32
    %dma_start3A_203 = tpu.memref_slice %arg6[%dma_start3A_201, %dma_start3A_202] : memref<512x128xf32, #tpu.memory_space<vmem>> -> memref<64x128xf32, #tpu.memory_space<vmem>>
    tpu.enqueue_dma source(%dma_start3A_203 : memref<64x128xf32, #tpu.memory_space<vmem>>) target(%dma_start3A_200 : memref<64x128xf32, #tpu.memory_space<hbm>>) target_semaphore(%arg9 : memref<!tpu.dma_semaphore, #tpu.memory_space<semaphore_mem>>)
    %dma_wait3A_204 = arith.constant 1 : i32
    %dma_wait3A_205 = arith.constant 3 : i32
    %dma_wait3A_206 = arith.constant 192 : i32
    %dma_wait3A_207 = arith.constant 0 : i32
    %dma_wait3A_208 = tpu.memref_slice %arg6[%dma_wait3A_206, %dma_wait3A_207] : memref<512x128xf32, #tpu.memory_space<vmem>> -> memref<64x128xf32, #tpu.memory_space<vmem>>
    %dma_wait3A_209 = arith.constant 64 : i32
    %dma_wait3A_210 = tpu.memref_slice %arg5[%dma_wait3A_204, %dma_wait3A_209] : memref<4x128xi32, #tpu.memory_space<vmem>> -> memref<1x64xi32, #tpu.memory_space<vmem>>
    %dma_wait3A_211 = tpu.memref_squeeze %dma_wait3A_210 : memref<1x64xi32, #tpu.memory_space<vmem>> -> memref<64xi32, #tpu.memory_space<vmem>>
    %dma_wait3A_212 = arith.constant 0 : i32
    %dma_wait3A_213 = arith.constant 0 : i32
    %dma_wait3A_214 = tpu.memref_slice %arg7[%dma_wait3A_212, %dma_wait3A_213] : memref<1001x128xf32, #tpu.memory_space<vmem_shared>> -> memref<1001x128xf32, #tpu.memory_space<vmem_shared>>
    %dma_wait3A_215 = tpu.memref_slice %arg8[%dma_wait3A_205] : memref<8x!tpu.dma_semaphore, #tpu.memory_space<semaphore_mem>> -> memref<1x!tpu.dma_semaphore, #tpu.memory_space<semaphore_mem>>
    %dma_wait3A_216 = tpu.memref_squeeze %dma_wait3A_215 : memref<1x!tpu.dma_semaphore, #tpu.memory_space<semaphore_mem>> -> memref<!tpu.dma_semaphore, #tpu.memory_space<semaphore_mem>>
    tpu.wait_indirect_dma semaphore(%dma_wait3A_216 : memref<!tpu.dma_semaphore, #tpu.memory_space<semaphore_mem>>) src(%dma_wait3A_214 : memref<1001x128xf32, #tpu.memory_space<vmem_shared>>) dst(%dma_wait3A_208 : memref<64x128xf32, #tpu.memory_space<vmem>>)
    %add3A_217 = arith.constant 192 : i32
    %add3A_218 = arith.addi %mul3A_2, %add3A_217 : i32
    %dma_start3A_219 = arith.constant 192 : i32
    %dma_start3A_220 = arith.constant 0 : i32
    %dma_start3A_221 = tpu.memref_slice %arg6[%dma_start3A_219, %dma_start3A_220] : memref<512x128xf32, #tpu.memory_space<vmem>> -> memref<64x128xf32, #tpu.memory_space<vmem>>
    %dma_start3A_222 = arith.constant 0 : i32
    %dma_start3A_223 = tpu.memref_slice %arg4[%add3A_218, %dma_start3A_222] : memref<16384x128xf32, #tpu.memory_space<hbm>> -> memref<64x128xf32, #tpu.memory_space<hbm>>
    %dma_start3A_224 = arith.constant 0 : i32
    %dma_start3A_225 = tpu.memref_slice %arg4[%add3A_218, %dma_start3A_224] : memref<16384x128xf32, #tpu.memory_space<hbm>> -> memref<64x128xf32, #tpu.memory_space<hbm>>
    %dma_start3A_226 = arith.constant 192 : i32
    %dma_start3A_227 = arith.constant 0 : i32
    %dma_start3A_228 = tpu.memref_slice %arg6[%dma_start3A_226, %dma_start3A_227] : memref<512x128xf32, #tpu.memory_space<vmem>> -> memref<64x128xf32, #tpu.memory_space<vmem>>
    tpu.enqueue_dma source(%dma_start3A_228 : memref<64x128xf32, #tpu.memory_space<vmem>>) target(%dma_start3A_225 : memref<64x128xf32, #tpu.memory_space<hbm>>) target_semaphore(%arg9 : memref<!tpu.dma_semaphore, #tpu.memory_space<semaphore_mem>>)
    %dma_wait3A_229 = arith.constant 2 : i32
    %dma_wait3A_230 = arith.constant 4 : i32
    %dma_wait3A_231 = arith.constant 256 : i32
    %dma_wait3A_232 = arith.constant 0 : i32
    %dma_wait3A_233 = tpu.memref_slice %arg6[%dma_wait3A_231, %dma_wait3A_232] : memref<512x128xf32, #tpu.memory_space<vmem>> -> memref<64x128xf32, #tpu.memory_space<vmem>>
    %dma_wait3A_234 = arith.constant 0 : i32
    %dma_wait3A_235 = tpu.memref_slice %arg5[%dma_wait3A_229, %dma_wait3A_234] : memref<4x128xi32, #tpu.memory_space<vmem>> -> memref<1x64xi32, #tpu.memory_space<vmem>>
    %dma_wait3A_236 = tpu.memref_squeeze %dma_wait3A_235 : memref<1x64xi32, #tpu.memory_space<vmem>> -> memref<64xi32, #tpu.memory_space<vmem>>
    %dma_wait3A_237 = arith.constant 0 : i32
    %dma_wait3A_238 = arith.constant 0 : i32
    %dma_wait3A_239 = tpu.memref_slice %arg7[%dma_wait3A_237, %dma_wait3A_238] : memref<1001x128xf32, #tpu.memory_space<vmem_shared>> -> memref<1001x128xf32, #tpu.memory_space<vmem_shared>>
    %dma_wait3A_240 = tpu.memref_slice %arg8[%dma_wait3A_230] : memref<8x!tpu.dma_semaphore, #tpu.memory_space<semaphore_mem>> -> memref<1x!tpu.dma_semaphore, #tpu.memory_space<semaphore_mem>>
    %dma_wait3A_241 = tpu.memref_squeeze %dma_wait3A_240 : memref<1x!tpu.dma_semaphore, #tpu.memory_space<semaphore_mem>> -> memref<!tpu.dma_semaphore, #tpu.memory_space<semaphore_mem>>
    tpu.wait_indirect_dma semaphore(%dma_wait3A_241 : memref<!tpu.dma_semaphore, #tpu.memory_space<semaphore_mem>>) src(%dma_wait3A_239 : memref<1001x128xf32, #tpu.memory_space<vmem_shared>>) dst(%dma_wait3A_233 : memref<64x128xf32, #tpu.memory_space<vmem>>)
    %add3A_242 = arith.constant 256 : i32
    %add3A_243 = arith.addi %mul3A_2, %add3A_242 : i32
    %dma_start3A_244 = arith.constant 256 : i32
    %dma_start3A_245 = arith.constant 0 : i32
    %dma_start3A_246 = tpu.memref_slice %arg6[%dma_start3A_244, %dma_start3A_245] : memref<512x128xf32, #tpu.memory_space<vmem>> -> memref<64x128xf32, #tpu.memory_space<vmem>>
    %dma_start3A_247 = arith.constant 0 : i32
    %dma_start3A_248 = tpu.memref_slice %arg4[%add3A_243, %dma_start3A_247] : memref<16384x128xf32, #tpu.memory_space<hbm>> -> memref<64x128xf32, #tpu.memory_space<hbm>>
    %dma_start3A_249 = arith.constant 0 : i32
    %dma_start3A_250 = tpu.memref_slice %arg4[%add3A_243, %dma_start3A_249] : memref<16384x128xf32, #tpu.memory_space<hbm>> -> memref<64x128xf32, #tpu.memory_space<hbm>>
    %dma_start3A_251 = arith.constant 256 : i32
    %dma_start3A_252 = arith.constant 0 : i32
    %dma_start3A_253 = tpu.memref_slice %arg6[%dma_start3A_251, %dma_start3A_252] : memref<512x128xf32, #tpu.memory_space<vmem>> -> memref<64x128xf32, #tpu.memory_space<vmem>>
    tpu.enqueue_dma source(%dma_start3A_253 : memref<64x128xf32, #tpu.memory_space<vmem>>) target(%dma_start3A_250 : memref<64x128xf32, #tpu.memory_space<hbm>>) target_semaphore(%arg9 : memref<!tpu.dma_semaphore, #tpu.memory_space<semaphore_mem>>)
    %dma_wait3A_254 = arith.constant 2 : i32
    %dma_wait3A_255 = arith.constant 5 : i32
    %dma_wait3A_256 = arith.constant 320 : i32
    %dma_wait3A_257 = arith.constant 0 : i32
    %dma_wait3A_258 = tpu.memref_slice %arg6[%dma_wait3A_256, %dma_wait3A_257] : memref<512x128xf32, #tpu.memory_space<vmem>> -> memref<64x128xf32, #tpu.memory_space<vmem>>
    %dma_wait3A_259 = arith.constant 64 : i32
    %dma_wait3A_260 = tpu.memref_slice %arg5[%dma_wait3A_254, %dma_wait3A_259] : memref<4x128xi32, #tpu.memory_space<vmem>> -> memref<1x64xi32, #tpu.memory_space<vmem>>
    %dma_wait3A_261 = tpu.memref_squeeze %dma_wait3A_260 : memref<1x64xi32, #tpu.memory_space<vmem>> -> memref<64xi32, #tpu.memory_space<vmem>>
    %dma_wait3A_262 = arith.constant 0 : i32
    %dma_wait3A_263 = arith.constant 0 : i32
    %dma_wait3A_264 = tpu.memref_slice %arg7[%dma_wait3A_262, %dma_wait3A_263] : memref<1001x128xf32, #tpu.memory_space<vmem_shared>> -> memref<1001x128xf32, #tpu.memory_space<vmem_shared>>
    %dma_wait3A_265 = tpu.memref_slice %arg8[%dma_wait3A_255] : memref<8x!tpu.dma_semaphore, #tpu.memory_space<semaphore_mem>> -> memref<1x!tpu.dma_semaphore, #tpu.memory_space<semaphore_mem>>
    %dma_wait3A_266 = tpu.memref_squeeze %dma_wait3A_265 : memref<1x!tpu.dma_semaphore, #tpu.memory_space<semaphore_mem>> -> memref<!tpu.dma_semaphore, #tpu.memory_space<semaphore_mem>>
    tpu.wait_indirect_dma semaphore(%dma_wait3A_266 : memref<!tpu.dma_semaphore, #tpu.memory_space<semaphore_mem>>) src(%dma_wait3A_264 : memref<1001x128xf32, #tpu.memory_space<vmem_shared>>) dst(%dma_wait3A_258 : memref<64x128xf32, #tpu.memory_space<vmem>>)
    %add3A_267 = arith.constant 320 : i32
    %add3A_268 = arith.addi %mul3A_2, %add3A_267 : i32
    %dma_start3A_269 = arith.constant 320 : i32
    %dma_start3A_270 = arith.constant 0 : i32
    %dma_start3A_271 = tpu.memref_slice %arg6[%dma_start3A_269, %dma_start3A_270] : memref<512x128xf32, #tpu.memory_space<vmem>> -> memref<64x128xf32, #tpu.memory_space<vmem>>
    %dma_start3A_272 = arith.constant 0 : i32
    %dma_start3A_273 = tpu.memref_slice %arg4[%add3A_268, %dma_start3A_272] : memref<16384x128xf32, #tpu.memory_space<hbm>> -> memref<64x128xf32, #tpu.memory_space<hbm>>
    %dma_start3A_274 = arith.constant 0 : i32
    %dma_start3A_275 = tpu.memref_slice %arg4[%add3A_268, %dma_start3A_274] : memref<16384x128xf32, #tpu.memory_space<hbm>> -> memref<64x128xf32, #tpu.memory_space<hbm>>
    %dma_start3A_276 = arith.constant 320 : i32
    %dma_start3A_277 = arith.constant 0 : i32
    %dma_start3A_278 = tpu.memref_slice %arg6[%dma_start3A_276, %dma_start3A_277] : memref<512x128xf32, #tpu.memory_space<vmem>> -> memref<64x128xf32, #tpu.memory_space<vmem>>
    tpu.enqueue_dma source(%dma_start3A_278 : memref<64x128xf32, #tpu.memory_space<vmem>>) target(%dma_start3A_275 : memref<64x128xf32, #tpu.memory_space<hbm>>) target_semaphore(%arg9 : memref<!tpu.dma_semaphore, #tpu.memory_space<semaphore_mem>>)
    %dma_wait3A_279 = arith.constant 3 : i32
    %dma_wait3A_280 = arith.constant 6 : i32
    %dma_wait3A_281 = arith.constant 384 : i32
    %dma_wait3A_282 = arith.constant 0 : i32
    %dma_wait3A_283 = tpu.memref_slice %arg6[%dma_wait3A_281, %dma_wait3A_282] : memref<512x128xf32, #tpu.memory_space<vmem>> -> memref<64x128xf32, #tpu.memory_space<vmem>>
    %dma_wait3A_284 = arith.constant 0 : i32
    %dma_wait3A_285 = tpu.memref_slice %arg5[%dma_wait3A_279, %dma_wait3A_284] : memref<4x128xi32, #tpu.memory_space<vmem>> -> memref<1x64xi32, #tpu.memory_space<vmem>>
    %dma_wait3A_286 = tpu.memref_squeeze %dma_wait3A_285 : memref<1x64xi32, #tpu.memory_space<vmem>> -> memref<64xi32, #tpu.memory_space<vmem>>
    %dma_wait3A_287 = arith.constant 0 : i32
    %dma_wait3A_288 = arith.constant 0 : i32
    %dma_wait3A_289 = tpu.memref_slice %arg7[%dma_wait3A_287, %dma_wait3A_288] : memref<1001x128xf32, #tpu.memory_space<vmem_shared>> -> memref<1001x128xf32, #tpu.memory_space<vmem_shared>>
    %dma_wait3A_290 = tpu.memref_slice %arg8[%dma_wait3A_280] : memref<8x!tpu.dma_semaphore, #tpu.memory_space<semaphore_mem>> -> memref<1x!tpu.dma_semaphore, #tpu.memory_space<semaphore_mem>>
    %dma_wait3A_291 = tpu.memref_squeeze %dma_wait3A_290 : memref<1x!tpu.dma_semaphore, #tpu.memory_space<semaphore_mem>> -> memref<!tpu.dma_semaphore, #tpu.memory_space<semaphore_mem>>
    tpu.wait_indirect_dma semaphore(%dma_wait3A_291 : memref<!tpu.dma_semaphore, #tpu.memory_space<semaphore_mem>>) src(%dma_wait3A_289 : memref<1001x128xf32, #tpu.memory_space<vmem_shared>>) dst(%dma_wait3A_283 : memref<64x128xf32, #tpu.memory_space<vmem>>)
    %add3A_292 = arith.constant 384 : i32
    %add3A_293 = arith.addi %mul3A_2, %add3A_292 : i32
    %dma_start3A_294 = arith.constant 384 : i32
    %dma_start3A_295 = arith.constant 0 : i32
    %dma_start3A_296 = tpu.memref_slice %arg6[%dma_start3A_294, %dma_start3A_295] : memref<512x128xf32, #tpu.memory_space<vmem>> -> memref<64x128xf32, #tpu.memory_space<vmem>>
    %dma_start3A_297 = arith.constant 0 : i32
    %dma_start3A_298 = tpu.memref_slice %arg4[%add3A_293, %dma_start3A_297] : memref<16384x128xf32, #tpu.memory_space<hbm>> -> memref<64x128xf32, #tpu.memory_space<hbm>>
    %dma_start3A_299 = arith.constant 0 : i32
    %dma_start3A_300 = tpu.memref_slice %arg4[%add3A_293, %dma_start3A_299] : memref<16384x128xf32, #tpu.memory_space<hbm>> -> memref<64x128xf32, #tpu.memory_space<hbm>>
    %dma_start3A_301 = arith.constant 384 : i32
    %dma_start3A_302 = arith.constant 0 : i32
    %dma_start3A_303 = tpu.memref_slice %arg6[%dma_start3A_301, %dma_start3A_302] : memref<512x128xf32, #tpu.memory_space<vmem>> -> memref<64x128xf32, #tpu.memory_space<vmem>>
    tpu.enqueue_dma source(%dma_start3A_303 : memref<64x128xf32, #tpu.memory_space<vmem>>) target(%dma_start3A_300 : memref<64x128xf32, #tpu.memory_space<hbm>>) target_semaphore(%arg9 : memref<!tpu.dma_semaphore, #tpu.memory_space<semaphore_mem>>)
    %dma_wait3A_304 = arith.constant 3 : i32
    %dma_wait3A_305 = arith.constant 7 : i32
    %dma_wait3A_306 = arith.constant 448 : i32
    %dma_wait3A_307 = arith.constant 0 : i32
    %dma_wait3A_308 = tpu.memref_slice %arg6[%dma_wait3A_306, %dma_wait3A_307] : memref<512x128xf32, #tpu.memory_space<vmem>> -> memref<64x128xf32, #tpu.memory_space<vmem>>
    %dma_wait3A_309 = arith.constant 64 : i32
    %dma_wait3A_310 = tpu.memref_slice %arg5[%dma_wait3A_304, %dma_wait3A_309] : memref<4x128xi32, #tpu.memory_space<vmem>> -> memref<1x64xi32, #tpu.memory_space<vmem>>
    %dma_wait3A_311 = tpu.memref_squeeze %dma_wait3A_310 : memref<1x64xi32, #tpu.memory_space<vmem>> -> memref<64xi32, #tpu.memory_space<vmem>>
    %dma_wait3A_312 = arith.constant 0 : i32
    %dma_wait3A_313 = arith.constant 0 : i32
    %dma_wait3A_314 = tpu.memref_slice %arg7[%dma_wait3A_312, %dma_wait3A_313] : memref<1001x128xf32, #tpu.memory_space<vmem_shared>> -> memref<1001x128xf32, #tpu.memory_space<vmem_shared>>
    %dma_wait3A_315 = tpu.memref_slice %arg8[%dma_wait3A_305] : memref<8x!tpu.dma_semaphore, #tpu.memory_space<semaphore_mem>> -> memref<1x!tpu.dma_semaphore, #tpu.memory_space<semaphore_mem>>
    %dma_wait3A_316 = tpu.memref_squeeze %dma_wait3A_315 : memref<1x!tpu.dma_semaphore, #tpu.memory_space<semaphore_mem>> -> memref<!tpu.dma_semaphore, #tpu.memory_space<semaphore_mem>>
    tpu.wait_indirect_dma semaphore(%dma_wait3A_316 : memref<!tpu.dma_semaphore, #tpu.memory_space<semaphore_mem>>) src(%dma_wait3A_314 : memref<1001x128xf32, #tpu.memory_space<vmem_shared>>) dst(%dma_wait3A_308 : memref<64x128xf32, #tpu.memory_space<vmem>>)
    %add3A_317 = arith.constant 448 : i32
    %add3A_318 = arith.addi %mul3A_2, %add3A_317 : i32
    %dma_start3A_319 = arith.constant 448 : i32
    %dma_start3A_320 = arith.constant 0 : i32
    %dma_start3A_321 = tpu.memref_slice %arg6[%dma_start3A_319, %dma_start3A_320] : memref<512x128xf32, #tpu.memory_space<vmem>> -> memref<64x128xf32, #tpu.memory_space<vmem>>
    %dma_start3A_322 = arith.constant 0 : i32
    %dma_start3A_323 = tpu.memref_slice %arg4[%add3A_318, %dma_start3A_322] : memref<16384x128xf32, #tpu.memory_space<hbm>> -> memref<64x128xf32, #tpu.memory_space<hbm>>
    %dma_start3A_324 = arith.constant 0 : i32
    %dma_start3A_325 = tpu.memref_slice %arg4[%add3A_318, %dma_start3A_324] : memref<16384x128xf32, #tpu.memory_space<hbm>> -> memref<64x128xf32, #tpu.memory_space<hbm>>
    %dma_start3A_326 = arith.constant 448 : i32
    %dma_start3A_327 = arith.constant 0 : i32
    %dma_start3A_328 = tpu.memref_slice %arg6[%dma_start3A_326, %dma_start3A_327] : memref<512x128xf32, #tpu.memory_space<vmem>> -> memref<64x128xf32, #tpu.memory_space<vmem>>
    tpu.enqueue_dma source(%dma_start3A_328 : memref<64x128xf32, #tpu.memory_space<vmem>>) target(%dma_start3A_325 : memref<64x128xf32, #tpu.memory_space<hbm>>) target_semaphore(%arg9 : memref<!tpu.dma_semaphore, #tpu.memory_space<semaphore_mem>>)
    %dma_wait3A_329 = arith.constant 0 : i32
    %dma_wait3A_330 = arith.constant 0 : i32
    %dma_wait3A_331 = tpu.memref_slice %arg6[%dma_wait3A_329, %dma_wait3A_330] : memref<512x128xf32, #tpu.memory_space<vmem>> -> memref<64x128xf32, #tpu.memory_space<vmem>>
    %dma_wait3A_332 = arith.constant 0 : i32
    %dma_wait3A_333 = tpu.memref_slice %arg4[%add3A_143, %dma_wait3A_332] : memref<16384x128xf32, #tpu.memory_space<hbm>> -> memref<64x128xf32, #tpu.memory_space<hbm>>
    %dma_wait3A_334 = arith.constant 0 : i32
    %dma_wait3A_335 = tpu.memref_slice %arg4[%add3A_143, %dma_wait3A_334] : memref<16384x128xf32, #tpu.memory_space<hbm>> -> memref<64x128xf32, #tpu.memory_space<hbm>>
    %dma_wait3A_336 = arith.constant 0 : i32
    %dma_wait3A_337 = arith.constant 0 : i32
    %dma_wait3A_338 = tpu.memref_slice %arg6[%dma_wait3A_336, %dma_wait3A_337] : memref<512x128xf32, #tpu.memory_space<vmem>> -> memref<64x128xf32, #tpu.memory_space<vmem>>
    tpu.wait_dma2 semaphore(%arg9 : memref<!tpu.dma_semaphore, #tpu.memory_space<semaphore_mem>>) src(%dma_wait3A_338 : memref<64x128xf32, #tpu.memory_space<vmem>>) dst(%dma_wait3A_335 : memref<64x128xf32, #tpu.memory_space<hbm>>)
    %dma_wait3A_339 = arith.constant 64 : i32
    %dma_wait3A_340 = arith.constant 0 : i32
    %dma_wait3A_341 = tpu.memref_slice %arg6[%dma_wait3A_339, %dma_wait3A_340] : memref<512x128xf32, #tpu.memory_space<vmem>> -> memref<64x128xf32, #tpu.memory_space<vmem>>
    %dma_wait3A_342 = arith.constant 0 : i32
    %dma_wait3A_343 = tpu.memref_slice %arg4[%add3A_168, %dma_wait3A_342] : memref<16384x128xf32, #tpu.memory_space<hbm>> -> memref<64x128xf32, #tpu.memory_space<hbm>>
    %dma_wait3A_344 = arith.constant 0 : i32
    %dma_wait3A_345 = tpu.memref_slice %arg4[%add3A_168, %dma_wait3A_344] : memref<16384x128xf32, #tpu.memory_space<hbm>> -> memref<64x128xf32, #tpu.memory_space<hbm>>
    %dma_wait3A_346 = arith.constant 64 : i32
    %dma_wait3A_347 = arith.constant 0 : i32
    %dma_wait3A_348 = tpu.memref_slice %arg6[%dma_wait3A_346, %dma_wait3A_347] : memref<512x128xf32, #tpu.memory_space<vmem>> -> memref<64x128xf32, #tpu.memory_space<vmem>>
    tpu.wait_dma2 semaphore(%arg9 : memref<!tpu.dma_semaphore, #tpu.memory_space<semaphore_mem>>) src(%dma_wait3A_348 : memref<64x128xf32, #tpu.memory_space<vmem>>) dst(%dma_wait3A_345 : memref<64x128xf32, #tpu.memory_space<hbm>>)
    %dma_wait3A_349 = arith.constant 128 : i32
    %dma_wait3A_350 = arith.constant 0 : i32
    %dma_wait3A_351 = tpu.memref_slice %arg6[%dma_wait3A_349, %dma_wait3A_350] : memref<512x128xf32, #tpu.memory_space<vmem>> -> memref<64x128xf32, #tpu.memory_space<vmem>>
    %dma_wait3A_352 = arith.constant 0 : i32
    %dma_wait3A_353 = tpu.memref_slice %arg4[%add3A_193, %dma_wait3A_352] : memref<16384x128xf32, #tpu.memory_space<hbm>> -> memref<64x128xf32, #tpu.memory_space<hbm>>
    %dma_wait3A_354 = arith.constant 0 : i32
    %dma_wait3A_355 = tpu.memref_slice %arg4[%add3A_193, %dma_wait3A_354] : memref<16384x128xf32, #tpu.memory_space<hbm>> -> memref<64x128xf32, #tpu.memory_space<hbm>>
    %dma_wait3A_356 = arith.constant 128 : i32
    %dma_wait3A_357 = arith.constant 0 : i32
    %dma_wait3A_358 = tpu.memref_slice %arg6[%dma_wait3A_356, %dma_wait3A_357] : memref<512x128xf32, #tpu.memory_space<vmem>> -> memref<64x128xf32, #tpu.memory_space<vmem>>
    tpu.wait_dma2 semaphore(%arg9 : memref<!tpu.dma_semaphore, #tpu.memory_space<semaphore_mem>>) src(%dma_wait3A_358 : memref<64x128xf32, #tpu.memory_space<vmem>>) dst(%dma_wait3A_355 : memref<64x128xf32, #tpu.memory_space<hbm>>)
    %dma_wait3A_359 = arith.constant 192 : i32
    %dma_wait3A_360 = arith.constant 0 : i32
    %dma_wait3A_361 = tpu.memref_slice %arg6[%dma_wait3A_359, %dma_wait3A_360] : memref<512x128xf32, #tpu.memory_space<vmem>> -> memref<64x128xf32, #tpu.memory_space<vmem>>
    %dma_wait3A_362 = arith.constant 0 : i32
    %dma_wait3A_363 = tpu.memref_slice %arg4[%add3A_218, %dma_wait3A_362] : memref<16384x128xf32, #tpu.memory_space<hbm>> -> memref<64x128xf32, #tpu.memory_space<hbm>>
    %dma_wait3A_364 = arith.constant 0 : i32
    %dma_wait3A_365 = tpu.memref_slice %arg4[%add3A_218, %dma_wait3A_364] : memref<16384x128xf32, #tpu.memory_space<hbm>> -> memref<64x128xf32, #tpu.memory_space<hbm>>
    %dma_wait3A_366 = arith.constant 192 : i32
    %dma_wait3A_367 = arith.constant 0 : i32
    %dma_wait3A_368 = tpu.memref_slice %arg6[%dma_wait3A_366, %dma_wait3A_367] : memref<512x128xf32, #tpu.memory_space<vmem>> -> memref<64x128xf32, #tpu.memory_space<vmem>>
    tpu.wait_dma2 semaphore(%arg9 : memref<!tpu.dma_semaphore, #tpu.memory_space<semaphore_mem>>) src(%dma_wait3A_368 : memref<64x128xf32, #tpu.memory_space<vmem>>) dst(%dma_wait3A_365 : memref<64x128xf32, #tpu.memory_space<hbm>>)
    %dma_wait3A_369 = arith.constant 256 : i32
    %dma_wait3A_370 = arith.constant 0 : i32
    %dma_wait3A_371 = tpu.memref_slice %arg6[%dma_wait3A_369, %dma_wait3A_370] : memref<512x128xf32, #tpu.memory_space<vmem>> -> memref<64x128xf32, #tpu.memory_space<vmem>>
    %dma_wait3A_372 = arith.constant 0 : i32
    %dma_wait3A_373 = tpu.memref_slice %arg4[%add3A_243, %dma_wait3A_372] : memref<16384x128xf32, #tpu.memory_space<hbm>> -> memref<64x128xf32, #tpu.memory_space<hbm>>
    %dma_wait3A_374 = arith.constant 0 : i32
    %dma_wait3A_375 = tpu.memref_slice %arg4[%add3A_243, %dma_wait3A_374] : memref<16384x128xf32, #tpu.memory_space<hbm>> -> memref<64x128xf32, #tpu.memory_space<hbm>>
    %dma_wait3A_376 = arith.constant 256 : i32
    %dma_wait3A_377 = arith.constant 0 : i32
    %dma_wait3A_378 = tpu.memref_slice %arg6[%dma_wait3A_376, %dma_wait3A_377] : memref<512x128xf32, #tpu.memory_space<vmem>> -> memref<64x128xf32, #tpu.memory_space<vmem>>
    tpu.wait_dma2 semaphore(%arg9 : memref<!tpu.dma_semaphore, #tpu.memory_space<semaphore_mem>>) src(%dma_wait3A_378 : memref<64x128xf32, #tpu.memory_space<vmem>>) dst(%dma_wait3A_375 : memref<64x128xf32, #tpu.memory_space<hbm>>)
    %dma_wait3A_379 = arith.constant 320 : i32
    %dma_wait3A_380 = arith.constant 0 : i32
    %dma_wait3A_381 = tpu.memref_slice %arg6[%dma_wait3A_379, %dma_wait3A_380] : memref<512x128xf32, #tpu.memory_space<vmem>> -> memref<64x128xf32, #tpu.memory_space<vmem>>
    %dma_wait3A_382 = arith.constant 0 : i32
    %dma_wait3A_383 = tpu.memref_slice %arg4[%add3A_268, %dma_wait3A_382] : memref<16384x128xf32, #tpu.memory_space<hbm>> -> memref<64x128xf32, #tpu.memory_space<hbm>>
    %dma_wait3A_384 = arith.constant 0 : i32
    %dma_wait3A_385 = tpu.memref_slice %arg4[%add3A_268, %dma_wait3A_384] : memref<16384x128xf32, #tpu.memory_space<hbm>> -> memref<64x128xf32, #tpu.memory_space<hbm>>
    %dma_wait3A_386 = arith.constant 320 : i32
    %dma_wait3A_387 = arith.constant 0 : i32
    %dma_wait3A_388 = tpu.memref_slice %arg6[%dma_wait3A_386, %dma_wait3A_387] : memref<512x128xf32, #tpu.memory_space<vmem>> -> memref<64x128xf32, #tpu.memory_space<vmem>>
    tpu.wait_dma2 semaphore(%arg9 : memref<!tpu.dma_semaphore, #tpu.memory_space<semaphore_mem>>) src(%dma_wait3A_388 : memref<64x128xf32, #tpu.memory_space<vmem>>) dst(%dma_wait3A_385 : memref<64x128xf32, #tpu.memory_space<hbm>>)
    %dma_wait3A_389 = arith.constant 384 : i32
    %dma_wait3A_390 = arith.constant 0 : i32
    %dma_wait3A_391 = tpu.memref_slice %arg6[%dma_wait3A_389, %dma_wait3A_390] : memref<512x128xf32, #tpu.memory_space<vmem>> -> memref<64x128xf32, #tpu.memory_space<vmem>>
    %dma_wait3A_392 = arith.constant 0 : i32
    %dma_wait3A_393 = tpu.memref_slice %arg4[%add3A_293, %dma_wait3A_392] : memref<16384x128xf32, #tpu.memory_space<hbm>> -> memref<64x128xf32, #tpu.memory_space<hbm>>
    %dma_wait3A_394 = arith.constant 0 : i32
    %dma_wait3A_395 = tpu.memref_slice %arg4[%add3A_293, %dma_wait3A_394] : memref<16384x128xf32, #tpu.memory_space<hbm>> -> memref<64x128xf32, #tpu.memory_space<hbm>>
    %dma_wait3A_396 = arith.constant 384 : i32
    %dma_wait3A_397 = arith.constant 0 : i32
    %dma_wait3A_398 = tpu.memref_slice %arg6[%dma_wait3A_396, %dma_wait3A_397] : memref<512x128xf32, #tpu.memory_space<vmem>> -> memref<64x128xf32, #tpu.memory_space<vmem>>
    tpu.wait_dma2 semaphore(%arg9 : memref<!tpu.dma_semaphore, #tpu.memory_space<semaphore_mem>>) src(%dma_wait3A_398 : memref<64x128xf32, #tpu.memory_space<vmem>>) dst(%dma_wait3A_395 : memref<64x128xf32, #tpu.memory_space<hbm>>)
    %dma_wait3A_399 = arith.constant 448 : i32
    %dma_wait3A_400 = arith.constant 0 : i32
    %dma_wait3A_401 = tpu.memref_slice %arg6[%dma_wait3A_399, %dma_wait3A_400] : memref<512x128xf32, #tpu.memory_space<vmem>> -> memref<64x128xf32, #tpu.memory_space<vmem>>
    %dma_wait3A_402 = arith.constant 0 : i32
    %dma_wait3A_403 = tpu.memref_slice %arg4[%add3A_318, %dma_wait3A_402] : memref<16384x128xf32, #tpu.memory_space<hbm>> -> memref<64x128xf32, #tpu.memory_space<hbm>>
    %dma_wait3A_404 = arith.constant 0 : i32
    %dma_wait3A_405 = tpu.memref_slice %arg4[%add3A_318, %dma_wait3A_404] : memref<16384x128xf32, #tpu.memory_space<hbm>> -> memref<64x128xf32, #tpu.memory_space<hbm>>
    %dma_wait3A_406 = arith.constant 448 : i32
    %dma_wait3A_407 = arith.constant 0 : i32
    %dma_wait3A_408 = tpu.memref_slice %arg6[%dma_wait3A_406, %dma_wait3A_407] : memref<512x128xf32, #tpu.memory_space<vmem>> -> memref<64x128xf32, #tpu.memory_space<vmem>>
    tpu.wait_dma2 semaphore(%arg9 : memref<!tpu.dma_semaphore, #tpu.memory_space<semaphore_mem>>) src(%dma_wait3A_408 : memref<64x128xf32, #tpu.memory_space<vmem>>) dst(%dma_wait3A_405 : memref<64x128xf32, #tpu.memory_space<hbm>>)
    return
  }
}

</mosaic_0001>

<sc_bundles>
// kernel: kernel.3.cloned.1.call-start
scs
__scs_entry_jumppad:
0x0: {  	(pc) =	sbr.rel $0x88, $3  }
0x1: {  	(tag) =	ssettag $0x0;
	lr =	simm.s32 $0x1  }
0x2: {  	[smem:$0x3F9F] =	sst lr;
	_ =	strace $0xD0000000  }
0x3: {  	_ = 	snop  }
0x4: {  	_ = 	snop  }
0x5: {  	_ = 	snop  }
0x6: {  	_ = 	snop  }
0x7: {  	_ = 	snop  }
__scs_overlays_trampoline_lowered:
0x8: {  	[smem:$0x3FAE] =	sst s0  }
0x9: {  	[smem:$0x3FAF] =	sst s1  }
0xa: {  	[smem:$0x3FB0] =	sst s2  }
0xb: {  	[smem:$0x3FB1] =	sst s3  }
0xc: {  	[smem:$0x3FB2] =	sst s4  }
0xd: {  	[smem:$0x3FB3] =	sst s5  }
0xe: {  	[smem:$0x3FB4] =	sst s6  }
0xf: {  	[smem:$0x3FB5] =	sst s7  }
0x10: {  	[smem:$0x3FB6] =	sst s8  }
0x11: {  	[smem:$0x3FB7] =	sst s9;
	s0 =	simm.s32 @!p0 $0x0  }
0x12: {  	s1 =	sld [smem:$0x3F9D];
	s0 =	simm.s32 @p0 $0x1  }
0x13: {  	[smem:$0x3FB8] =	sst s0;
	s0 =	simm.s32 @!p1 $0x0  }
0x14: {  	s2 =	sld [smem:$0x3F9C];
	s0 =	simm.s32 @p1 $0x1  }
0x15: {  	[smem:$0x3FB9] =	sst s0;
	s0 =	simm.s32 @!p2 $0x0  }
0x16: {  	s3 =	sld [smem:$0x3FDB];
	s0 =	simm.s32 @p2 $0x1  }
0x17: {  	s4 =	simm.s32 $0x1BF5;
	[smem:$0x3FBB] =	sst s0  }
0x18: {  	s0 =	sld [smem:$0x3F9E];
	_ =	swait.ge [sflag:s4], $0x0  }
0x19: {  	s7 =	sld [smem:$0x3F9F]  }
0x1a: {  	s8 =	sadd.s32 $0xFFFFE003, lr  }
0x1b: {  	s9 =	sadd.s32 $0xFFFFFEF7, lr;
	s5 =	simm.s32 $0xFFFFFFFF;
	p2 =	slt.u32 s8, $0xFFFFF086  }
0x1c: {  	p1 =	slt.u32 s9, $0xF7A;
	s5 =	simm.s32 @!p2 $0x0  }
0x1d: {  	s5 =	simm.s32 @p1 $0x1;
	p0 =	seq.s32 s7, s2  }
0x1e: {  	s7 =	smul.u32 @!p0 $0xF7A, s2;
	p2 =	seq.s32 @!p0 s5, $0x0  }
0x1f: {  	s9 =	smul.u32 $0xF7A, s1;
	s8 =	simm.s32 @!p0 $0x1BF5;
	p2 =	por !p2, p0  }
0x20: {  	[sflag:s8] =	ssyncset.s32 @!p0 $0xFFFFF086;
	s6 =	sadd.s32 @!p0 s3, s7;
	s7 =	simm.s32 @!p0 $0x108  }
0x21: {  	s3 =	sadd.s32 s3, s9;
	s6 =	sadd.s32 @!p0 $0x88, s6;
	s7 =	simm.s32 @p2 $0x1082  }
0x22: {  	[simem:s7], [sflag:s8] =	dma.local @!p0 [hbm:s6], $0xF7A  }
0x23: {  	s9 =	sor.u32 $0xD0000000, s2;
	s6 =	simm.s32 $0x108;
	_ =	swait.ge @!p0 [sflag:s8], $0x0  }
0x24: {  	s3 =	sadd.s32 $0x88, s3;
	s6 =	simm.s32 @!p1 $0x1082;
	[sflag:s4] =	ssyncset.s32 $0xFFFFF086  }
0x25: {  	[simem:s6], [sflag:s4] =	dma.local [hbm:s3], $0xF7A  }
0x26: {  	[smem:$0x3F9F] =	sst s1;
	(tag) =	ssettag s2;
	_ =	strace s9  }
0x27: {  	s1 =	sld [smem:$0x3FAF]  }
0x28: {  	s2 =	sld [smem:$0x3FB0]  }
0x29: {  	s4 =	sld [smem:$0x3FB2]  }
0x2a: {  	p0 =	seq.s32 s5, $0x0;
	s5 =	sld [smem:$0x3FB3]  }
0x2b: {  	s6 =	sld [smem:$0x3FB4]  }
0x2c: {  	s7 =	sld [smem:$0x3FB5]  }
0x2d: {  	s3 =	simm.s32 $0x108;
	s8 =	sld [smem:$0x3FB6]  }
0x2e: {  	s3 =	simm.s32 @!p0 $0x1082;
	s9 =	sld [smem:$0x3FB7]  }
0x2f: {  	lr =	sadd.s32 s0, s3;
	s0 =	sld [smem:$0x3FAE]  }
0x30: {  	s3 =	sld [smem:$0x3FB1]  }
0x31: {  	[smem:$0x3FBA] =	sst s10  }
0x32: {  	s10 =	sld [smem:$0x3FB8];
	_ =	sdelay $0x3  }
0x33: {  	p0 =	seq.s32 s10, $0x1;
	s10 =	sld [smem:$0x3FBA];
	_ =	sdelay $0x3  }
0x34: {  	[smem:$0x3FBA] =	sst s10  }
0x35: {  	s10 =	sld [smem:$0x3FB9];
	_ =	sdelay $0x3  }
0x36: {  	p1 =	seq.s32 s10, $0x1;
	s10 =	sld [smem:$0x3FBA];
	_ =	sdelay $0x3  }
0x37: {  	[smem:$0x3FBA] =	sst s10  }
0x38: {  	s10 =	sld [smem:$0x3FBB]  }
0x39: {  	_ = 	snop;
	(pc) =	sbr.ind lr, $3  }
0x3a: {  	_ = 	snop  }
0x3b: {  	_ = 	snop  }
0x3c: {  	p2 =	seq.s32 s10, $0x1;
	s10 =	sld [smem:$0x3FBA]  }
0x3d: {  	_ =	shalt  }
0x3e: {  	_ =	shalt  }
0x3f: {  	_ =	shalt  }
0x40: {  	_ =	shalt  }
0x41: {  	_ =	shalt  }
0x42: {  	_ =	shalt  }
0x43: {  	_ =	shalt  }
0x44: {  	_ =	shalt  }
0x45: {  	_ =	shalt  }
0x46: {  	_ =	shalt  }
0x47: {  	_ =	shalt  }
0x48: {  	_ =	shalt  }
0x49: {  	_ =	shalt  }
0x4a: {  	_ =	shalt  }
0x4b: {  	_ =	shalt  }
0x4c: {  	_ =	shalt  }
0x4d: {  	_ =	shalt  }
0x4e: {  	_ =	shalt  }
0x4f: {  	_ =	shalt  }
0x50: {  	_ =	shalt  }
0x51: {  	_ =	shalt  }
0x52: {  	_ =	shalt  }
0x53: {  	_ =	shalt  }
0x54: {  	_ =	shalt  }
0x55: {  	_ =	shalt  }
0x56: {  	_ =	shalt  }
0x57: {  	_ =	shalt  }
0x58: {  	_ =	shalt  }
0x59: {  	_ =	shalt  }
0x5a: {  	_ =	shalt  }
0x5b: {  	_ =	shalt  }
0x5c: {  	_ =	shalt  }
0x5d: {  	_ =	shalt  }
0x5e: {  	_ =	shalt  }
0x5f: {  	_ =	shalt  }
0x60: {  	_ =	shalt  }
0x61: {  	_ =	shalt  }
0x62: {  	_ =	shalt  }
0x63: {  	_ =	shalt  }
0x64: {  	_ =	shalt  }
0x65: {  	_ =	shalt  }
0x66: {  	_ =	shalt  }
0x67: {  	_ =	shalt  }
0x68: {  	_ =	shalt  }
0x69: {  	_ =	shalt  }
0x6a: {  	_ =	shalt  }
0x6b: {  	_ =	shalt  }
0x6c: {  	_ =	shalt  }
0x6d: {  	_ =	shalt  }
0x6e: {  	_ =	shalt  }
0x6f: {  	_ =	shalt  }
0x70: {  	_ =	shalt  }
0x71: {  	_ =	shalt  }
0x72: {  	_ =	shalt  }
0x73: {  	_ =	shalt  }
0x74: {  	_ =	shalt  }
0x75: {  	_ =	shalt  }
0x76: {  	_ =	shalt  }
0x77: {  	_ =	shalt  }
0x78: {  	_ =	shalt  }
0x79: {  	_ =	shalt  }
0x7a: {  	_ =	shalt  }
0x7b: {  	_ =	shalt  }
0x7c: {  	_ =	shalt  }
0x7d: {  	_ =	shalt  }
0x7e: {  	_ =	shalt  }
0x7f: {  	_ =	shalt  }
0x80: {  	_ =	shalt  }
0x81: {  	_ =	shalt  }
0x82: {  	_ =	shalt  }
0x83: {  	_ =	shalt  }
0x84: {  	_ =	shalt  }
0x85: {  	_ =	shalt  }
0x86: {  	_ =	shalt  }
0x87: {  	_ =	shalt  }
.Lfunc_end0:
.L_simem_size_0:
called_computation_lowered:
.L_overlay_start_0:
0x88: {  	s2 =	sld [smem:$0x3FD9]  }
0x89: {  	s3 =	sld [smem:$0x3FFE];
	_ =	sdelay $0x1  }
0x8a: {  	s1 =	srdreg.scid  }
0x8b: {  	s0 =	sand.u32 $0x1, s1  }
0x8c: {  	s18 =	sshll.u32 s0, $0xA;
	s2 =	sadd.s32 s3, s2  }
0x8d: {  	s2 =	sadd.s32 s2, s18  }
0x8e: {  	[smem:$0x3FC6] =	sst s2  }
0x8f: {  	_ = 	snop  }
0x90: {  	s2 =	sld [smem:$0x3FC9]  }
0x91: {  	s19 =	sld [smem:$0x3FC8]  }
0x92: {  	s4 =	sld [smem:$0x3FD0];
	(tm) =	ssettm $0x1  }
0x93: {  	s5 =	sld [smem:$0x3FFB];
	_ =	sdelay $0x3  }
0x94: {  	_ =	strace s5  }
0x95: {  	s5 =	sld [smem:$0x3FFC];
	_ =	sdelay $0x3  }
0x96: {  	_ =	strace s5  }
0x97: {  	s5 =	sld [smem:$0x3FFD];
	_ =	sdelay $0x3  }
0x98: {  	_ =	strace s5  }
0x99: {  	_ =	strace $0x8FFFFFFF  }
0x9a: {  	s20 =	sld [smem:$0x3FDB];
	_ =	sdelay $0x1  }
0x9b: {  	s6 =	simm.s32 $_scs_section_size  }
0x9c: {  	s7 =	simm.s32 $_size__tile_overlayer_lowered;
	s8 =	simm.s32 $_tile_overlayer_lowered  }
0x9d: {  	s23 =	simm.s32 $0x1BFF;
	s22 =	sshll.u32 s8, $0x1;
	s5 =	sadd.s32 s6, s20  }
0x9e: {  	s9 =	simm.s32 $0x0;
	s21 =	sshll.u32 s7, $0x1;
	s7 =	sadd.s32 s22, s5  }
0x9f: {  	[timem:s9], [sflag:s23] =	dma.local [hbm:s7], s21  }
0xa0: {  	_ =	swait.ge [sflag:s23], s21  }
0xa1: {  	s6 =	ssub.s32 $0x0, s21;
	[sflag:s23] =	ssyncset.done $0x0  }
0xa2: {  	[sflag:s23] =	ssyncadd.s32 s6;
	_ =	sdelay $0x1  }
0xa3: {  	s24 =	simm.s32 $0x1B8B  }
0xa4: {  	_ =	swait.ge [sflag:s24], $0x1  }
0xa5: {  	[sflag:s24] =	ssyncset.done $0x0  }
0xa6: {  	s25 =	simm.s32 $0x1B8E;
	[sflag:s24] =	ssyncadd.s32 $0xFFFFFFFF  }
0xa7: {  	s26 =	simm.s32 $execute0_lowered;
	[smem:$0x3FD2] =	sst s25  }
0xa8: {  	s6 =	sshll.u32 s26, $0x1;
	_ =	strace $0x80000046;
	[dreg:$0x1] =	wrdreg $0xFFFFFFFF  }
0xa9: {  	s28 =	simm.s32 $_size_execute0_lowered;
	s5 =	sadd.s32 s5, s6;
	[dreg:$0x0] =	wrdreg $0x0  }
0xaa: {  	s6 =	sshll.u32 s28, $0x1;
	[dreg:$0x2] =	wrdreg s5  }
0xab: {  	[dreg:$0x3] =	wrdreg s6  }
0xac: {  	[dreg:$0x4] =	wrdreg $0xC0  }
0xad: {  	_ =	task [dreg:s9], $0x5FFFF  }
0xae: {  	[dreg:$0x1] =	wrdreg $0xFFFFFFFF  }
0xaf: {  	[dreg:$0x0] =	wrdreg $0x60  }
0xb0: {  	[dreg:$0x2] =	wrdreg s2  }
0xb1: {  	[dreg:$0x3] =	wrdreg s19  }
0xb2: {  	[dreg:$0x4] =	wrdreg s4  }
0xb3: {  	[dreg:$0x5] =	wrdreg $0x102000  }
0xb4: {  	[dreg:$0x6] =	wrdreg $0x9  }
0xb5: {  	_ =	task.clear_ibuf [dreg:s9], $0x7FFFF;
	_ =	strace $0x90000046  }
0xb6: {  	s29 =	simm.s32 $0x9;
	_ =	strace $0x80000048  }
0xb7: {  	_ =	swait.ge [sflag:s29], $0x1  }
0xb8: {  	[sflag:s29] =	ssyncadd.s32 $0xFFFFFFFF  }
0xb9: {  	_ =	strace $0x90000048  }
0xba: {  	_ =	sfence  }
0xbb: {  	s30 =	sld [smem:$0x0];
	_ =	sdelay $0x2  }
0xbc: {  	s31 =	sshll.u32 s1, $0xD;
	s1 =	sshrl.u32 s1, $0x2  }
0xbd: {  	s3 =	sand.u32 $0x4000, s31;
	s1 =	sadd.s32 s1, s30  }
0xbe: {  	s0 =	sor.u32 s3, s0;
	s1 =	sshll.u32 s1, $0x11  }
0xbf: {  	s0 =	sor.u32 s1, s0  }
0xc0: {  	s0 =	sadd.s32 $0x8F2B, s0  }
0xc1: {  	[sflag:s0] =	ssyncadd.remote.s32 $0x1  }
0xc2: {  	_ =	sfence.sel $0xFFFF  }
0xc3: {  	[dreg:$0x0] =	wrdreg $0xFFFFFFFF;
	(pc) =	sbr.abs _section_cstart, $3  }
0xc4: {  	[dreg:$0x1] =	wrdreg $0xFFFFFFFF  }
0xc5: {  	_ =	task.clear_ibuf [dreg:s9], $0x2FFFF;
	_ =	strace $0x9FFFFFFF  }
0xc6: {  	(tm) =	ssettm $0x7FFFFFFF  }
0xc7: {  	_ =	shalt  }
tec
execute0_lowered:
.L_overlay_start_1:
0x0: {  	(tag) =	ssettag $0x1  }
0x1: {  	s4 =	rddreg [dreg:$0x0]  }
0x2: {  	s5 =	rddreg [dreg:$0x1];
	s1 =	srdreg.scid  }
0x3: {  	s6 =	rddreg [dreg:$0x2];
	s0 =	stileid.u32  }
0x4: {  	s2 =	rddreg [dreg:$0x3];
	s3 =	simm.s32 $0x0;
	s25 =	simm.s32 $0x80  }
0x5: {  	s1 =	sand.u32 $0x1, s1;
	s7 =	sshll.u32 s0, $0xA;
	[smem:$0x7FF] =	sst s3  }
0x6: {  	p0 =	seq.s32 s0, $0xF;
	s8 =	sshll.u32 s1, $0x9;
	_ =	strace $0x80000047  }
0x7: {  	s14 =	sadd.s32 s5, s7;
	s5 =	sadd.s32 $0x3C00, s5;
	[dreg:$0x12] =	wrdreg s25  }
0x8: {  	s8 =	sor.u32 s8, s7;
	[dreg:$0x6] =	wrdreg s14;
	s7 =	sadd.s32 $0x1E000, s2  }
0x9: {  	[dreg:$0x7] =	wrdreg s5;
	s5 =	sshrl.u32 @p0 s7, $0x3  }
0xa: {  	s9 =	sshrl.u32 s8, $0x3;
	[dreg:$0x11] =	wrdreg s5  }
0xb: {  	s7 =	sshll.u32 @!p0 s0, $0x6;
	s4 =	sadd.s32 s4, s9;
	s9 =	rddreg [dreg:$0x7]  }
0xc: {  	s5 =	sor.u32 @!p0 $0x1C0A, s7;
	[dreg:$0x5] =	wrdreg s4  }
0xd: {  	s15 =	sshll.u32 s8, $0x4;
	[dreg:$0xf] =	wrdreg s5  }
0xe: {  	s4 =	sadd.s32 s6, s15;
	s7 =	rddreg [dreg:$0x11]  }
0xf: {  	s16 =	sadd.s32 $0x400, s4;
	s24 =	rddreg [dreg:$0x5]  }
0x10: {  	s17 =	sadd.s32 $0x800, s4;
	[dreg:$0x8] =	wrdreg s16  }
0x11: {  	s18 =	sadd.s32 $0xC00, s4;
	[dreg:$0x9] =	wrdreg s17  }
0x12: {  	s19 =	sadd.s32 $0x1000, s4;
	[dreg:$0xa] =	wrdreg s18  }
0x13: {  	s21 =	sadd.s32 $0x1400, s4;
	[dreg:$0xb] =	wrdreg s19  }
0x14: {  	s20 =	sshll.u32 s0, $0xD;
	s22 =	sadd.s32 $0x1800, s4;
	[dreg:$0xc] =	wrdreg s21  }
0x15: {  	s6 =	sadd.s32 s20, s2;
	s23 =	sadd.s32 $0x1C00, s4;
	[dreg:$0xd] =	wrdreg s22  }
0x16: {  	s5 =	sshrl.u32 @!p0 s6, $0x3;
	[dreg:$0xe] =	wrdreg s23  }
0x17: {  	s0 =	simm.s32 @p0 $0x1FCA;
	s6 =	simm.s32 @p0 $0xA;
	[dreg:$0x10] =	wrdreg s5  }
0x18: {  	[tilespmem:s3], [sflag:$0x9] =	stream.linear.gather [hbm4b:s24+s3], $0x200, $0x38;
	[tilespmem:$0x12148] =	vst v63  }
0x19: {  	[spmem:s7], [sflag:s0] =	dma.local @p0 [hbm:s9], $0x290  }
0x1a: {  	_ =	swait.ge @p0 [sflag:s6], $0x290  }
0x1b: {  	s8 =	rddreg [dreg:$0x10]  }
0x1c: {  	s9 =	rddreg [dreg:$0x6];
	[sflag:s6] =	ssyncset.done @p0 $0x0  }
0x1d: {  	s7 =	simm.s32 @!p0 $0xA;
	s10 =	rddreg [dreg:$0xf];
	[sflag:s6] =	ssyncadd.s32 @p0 $0xFFFFFD70  }
0x1e: {  	[spmem:s8], [sflag:s10] =	dma.local @!p0 [hbm:s9], $0x400  }
0x1f: {  	_ =	swait.ge @!p0 [sflag:s7], $0x400  }
0x20: {  	[sflag:s7] =	ssyncset.done @!p0 $0x0  }
0x21: {  	[sflag:s7] =	ssyncadd.s32 @!p0 $0xFFFFFC00  }
0x22: {  	s8 =	simm.s32 $0x9;
	[bflag:$0x0] =	sbarrier.arrive $0xFFFF  }
0x23: {  	_ =	swait.ge [sflag:s8], $0x200  }
0x24: {  	[sflag:s8] =	ssyncset.done $0x0  }
0x25: {  	s9 =	simm.s32 $0x40;
	s10 =	simm.s32 $0x200;
	[sflag:s8] =	ssyncadd.s32 $0xFFFFFE00  }
0x26: {  	[tilespmem:s10], [sflag:$0x1] =	stream.indirect.gather [spmem:s2], $0x80, s3, s9, $0xb8;
	[tilespmem:$0x12148] =	vst v63  }
0x27: {  	s11 =	simm.s32 $0x2200  }
0x28: {  	[tilespmem:s11], [sflag:$0x2] =	stream.indirect.gather [spmem:s2], $0x80, s9, s9, $0xb8;
	[tilespmem:$0x12148] =	vst v63  }
0x29: {  	s12 =	simm.s32 $0x4200;
	s13 =	rddreg [dreg:$0x12]  }
0x2a: {  	[tilespmem:s12], [sflag:$0x3] =	stream.indirect.gather [spmem:s2], $0x80, s13, s9, $0xb8;
	[tilespmem:$0x12148] =	vst v63  }
0x2b: {  	s26 =	simm.s32 $0xC0;
	s14 =	simm.s32 $0x6200  }
0x2c: {  	[tilespmem:s14], [sflag:$0x4] =	stream.indirect.gather [spmem:s2], $0x80, s26, s9, $0xb8;
	[tilespmem:$0x12148] =	vst v63  }
0x2d: {  	s15 =	simm.s32 $0x100;
	s16 =	simm.s32 $0x8200  }
0x2e: {  	[tilespmem:s16], [sflag:$0x5] =	stream.indirect.gather [spmem:s2], $0x80, s15, s9, $0xb8;
	[tilespmem:$0x12148] =	vst v63  }
0x2f: {  	s17 =	simm.s32 $0x140;
	s18 =	simm.s32 $0xA200  }
0x30: {  	[tilespmem:s18], [sflag:$0x6] =	stream.indirect.gather [spmem:s2], $0x80, s17, s9, $0xb8;
	[tilespmem:$0x12148] =	vst v63  }
0x31: {  	s20 =	simm.s32 $0xC200;
	s19 =	simm.s32 $0x180  }
0x32: {  	[tilespmem:s20], [sflag:$0x7] =	stream.indirect.gather [spmem:s2], $0x80, s19, s9, $0xb8;
	[tilespmem:$0x12148] =	vst v63  }
0x33: {  	s21 =	simm.s32 $0x1C0;
	s22 =	simm.s32 $0xE200;
	s23 =	simm.s32 $0x1  }
0x34: {  	[tilespmem:s22], [sflag:$0x8] =	stream.indirect.gather [spmem:s2], $0x80, s21, s9, $0xb8;
	[tilespmem:$0x12148] =	vst v63  }
0x35: {  	_ =	swait.ge [sflag:s23], $0x2000  }
0x36: {  	[sflag:s23] =	ssyncset.done $0x0  }
0x37: {  	s24 =	simm.s32 $0x2;
	[sflag:s23] =	ssyncadd.s32 $0xFFFFE000  }
0x38: {  	[hbm4b:s4+s3] =	stream.linear.scatter [tilespmem:s10], [sflag:$0x9], $0x2000, $0x38;
	[tilespmem:$0x12148] =	vst v63  }
0x39: {  	_ =	swait.ge [sflag:s24], $0x2000  }
0x3a: {  	[sflag:s24] =	ssyncset.done $0x0  }
0x3b: {  	s25 =	rddreg [dreg:$0x8];
	[sflag:s24] =	ssyncadd.s32 $0xFFFFE000  }
0x3c: {  	[hbm4b:s25+s3] =	stream.linear.scatter [tilespmem:s11], [sflag:$0x9], $0x2000, $0x38;
	[tilespmem:$0x12148] =	vst v63  }
0x3d: {  	s25 =	simm.s32 $0x3  }
0x3e: {  	_ =	swait.ge [sflag:s25], $0x2000  }
0x3f: {  	[sflag:s25] =	ssyncset.done $0x0  }
0x40: {  	s26 =	rddreg [dreg:$0x9];
	[sflag:s25] =	ssyncadd.s32 $0xFFFFE000  }
0x41: {  	[hbm4b:s26+s3] =	stream.linear.scatter [tilespmem:s12], [sflag:$0x9], $0x2000, $0x38;
	[tilespmem:$0x12148] =	vst v63  }
0x42: {  	s26 =	simm.s32 $0x4  }
0x43: {  	_ =	swait.ge [sflag:s26], $0x2000  }
0x44: {  	[sflag:s26] =	ssyncset.done $0x0  }
0x45: {  	s28 =	rddreg [dreg:$0xa];
	[sflag:s26] =	ssyncadd.s32 $0xFFFFE000  }
0x46: {  	[hbm4b:s28+s3] =	stream.linear.scatter [tilespmem:s14], [sflag:$0x9], $0x2000, $0x38;
	[tilespmem:$0x12148] =	vst v63  }
0x47: {  	s28 =	simm.s32 $0x5  }
0x48: {  	_ =	swait.ge [sflag:s28], $0x2000  }
0x49: {  	[sflag:s28] =	ssyncset.done $0x0  }
0x4a: {  	s29 =	rddreg [dreg:$0xb];
	[sflag:s28] =	ssyncadd.s32 $0xFFFFE000  }
0x4b: {  	[hbm4b:s29+s3] =	stream.linear.scatter [tilespmem:s16], [sflag:$0x9], $0x2000, $0x38;
	[tilespmem:$0x12148] =	vst v63  }
0x4c: {  	s29 =	simm.s32 $0x6  }
0x4d: {  	_ =	swait.ge [sflag:s29], $0x2000  }
0x4e: {  	[sflag:s29] =	ssyncset.done $0x0  }
0x4f: {  	s30 =	rddreg [dreg:$0xc];
	[sflag:s29] =	ssyncadd.s32 $0xFFFFE000  }
0x50: {  	[hbm4b:s30+s3] =	stream.linear.scatter [tilespmem:s18], [sflag:$0x9], $0x2000, $0x38;
	[tilespmem:$0x12148] =	vst v63  }
0x51: {  	s30 =	simm.s32 $0x7  }
0x52: {  	_ =	swait.ge [sflag:s30], $0x2000  }
0x53: {  	[sflag:s30] =	ssyncset.done $0x0  }
0x54: {  	s31 =	rddreg [dreg:$0xd];
	[sflag:s30] =	ssyncadd.s32 $0xFFFFE000  }
0x55: {  	[hbm4b:s31+s3] =	stream.linear.scatter [tilespmem:s20], [sflag:$0x9], $0x2000, $0x38;
	[tilespmem:$0x12148] =	vst v63  }
0x56: {  	s31 =	simm.s32 $0x8  }
0x57: {  	_ =	swait.ge [sflag:s31], $0x2000  }
0x58: {  	[sflag:s31] =	ssyncset.done $0x0  }
0x59: {  	s5 =	rddreg [dreg:$0xe];
	[sflag:s31] =	ssyncadd.s32 $0xFFFFE000  }
0x5a: {  	[hbm4b:s5+s3] =	stream.linear.scatter [tilespmem:s22], [sflag:$0x9], $0x2000, $0x38;
	[tilespmem:$0x12148] =	vst v63  }
0x5b: {  	_ =	swait.ge [sflag:s8], $0x2000  }
0x5c: {  	[sflag:s8] =	ssyncset.done $0x0  }
0x5d: {  	[sflag:s8] =	ssyncadd.s32 $0xFFFFE000  }
0x5e: {  	_ =	swait.ge [sflag:s8], $0x2000  }
0x5f: {  	[sflag:s8] =	ssyncset.done $0x0  }
0x60: {  	[sflag:s8] =	ssyncadd.s32 $0xFFFFE000  }
0x61: {  	_ =	swait.ge [sflag:s8], $0x2000  }
0x62: {  	[sflag:s8] =	ssyncset.done $0x0  }
0x63: {  	[sflag:s8] =	ssyncadd.s32 $0xFFFFE000  }
0x64: {  	_ =	swait.ge [sflag:s8], $0x2000  }
0x65: {  	s13 =	ssub.s32 $0x2, s1;
	[sflag:s8] =	ssyncset.done $0x0  }
0x66: {  	s1 =	sshrl.u32 s13, $0x1;
	[sflag:s8] =	ssyncadd.s32 $0xFFFFE000  }
0x67: {  	s0 =	ssub.s32 s13, s1;
	_ =	swait.ge [sflag:s8], $0x2000  }
0x68: {  	s0 =	smax.u32 s0, $0x1;
	[sflag:s8] =	ssyncset.done $0x0  }
0x69: {  	s1 =	sadd.s32 $0xFFFFFFFF, s0;
	[sflag:s8] =	ssyncadd.s32 $0xFFFFE000  }
0x6a: {  	p1 =	sne.s32 s1, $0x0;
	_ =	swait.ge [sflag:s8], $0x2000  }
.Ltmp0:
0x6b: {  	[sflag:s8] =	ssyncset.done $0x0;
	(pc) =	sbr.rel @!p1 .LBB2_2-.Ltmp0, $4  }
0x6c: {  	[sflag:s8] =	ssyncadd.s32 $0xFFFFE000  }
0x6d: {  	_ =	swait.ge [sflag:s8], $0x2000  }
0x6e: {  	[sflag:s8] =	ssyncset.done $0x0  }
0x6f: {  	[sflag:s8] =	ssyncadd.s32 $0xFFFFE000  }
.LBB2_1:
0x70: {  	_ =	swait.ge [sflag:s8], $0x2000  }
0x71: {  	s0 =	rddreg [dreg:$0x11];
	[sflag:s8] =	ssyncset.done $0x0  }
0x72: {  	s5 =	rddreg [dreg:$0x5];
	[sflag:s8] =	ssyncadd.s32 $0xFFFFE000  }
0x73: {  	[tilespmem:s3], [sflag:$0x9] =	stream.linear.gather [hbm4b:s5+s3], $0x200, $0x38;
	[tilespmem:$0x12148] =	vst v63  }
0x74: {  	s13 =	rddreg [dreg:$0x7];
	s5 =	simm.s32 @p0 $0x1FCA  }
0x75: {  	[spmem:s0], [sflag:s5] =	dma.local @p0 [hbm:s13], $0x290  }
0x76: {  	_ =	swait.ge @p0 [sflag:s6], $0x290  }
0x77: {  	s0 =	rddreg [dreg:$0x10]  }
0x78: {  	[sflag:s6] =	ssyncset.done @p0 $0x0;
	s5 =	rddreg [dreg:$0x6]  }
0x79: {  	s13 =	rddreg [dreg:$0xf];
	[sflag:s6] =	ssyncadd.s32 @p0 $0xFFFFFD70  }
0x7a: {  	[spmem:s0], [sflag:s13] =	dma.local @!p0 [hbm:s5], $0x400  }
0x7b: {  	_ =	swait.ge @!p0 [sflag:s7], $0x400  }
0x7c: {  	[sflag:s7] =	ssyncset.done @!p0 $0x0  }
0x7d: {  	[sflag:s7] =	ssyncadd.s32 @!p0 $0xFFFFFC00  }
0x7e: {  	[bflag:$0x0] =	sbarrier.arrive $0xFFFF  }
0x7f: {  	_ =	swait.ge [sflag:s8], $0x200  }
0x80: {  	[sflag:s8] =	ssyncset.done $0x0  }
0x81: {  	[sflag:s8] =	ssyncadd.s32 $0xFFFFFE00  }
0x82: {  	[tilespmem:s10], [sflag:$0x1] =	stream.indirect.gather [spmem:s2], $0x80, s3, s9, $0xb8;
	[tilespmem:$0x12148] =	vst v63  }
0x83: {  	_ = 	snop  }
0x84: {  	[tilespmem:s11], [sflag:$0x2] =	stream.indirect.gather [spmem:s2], $0x80, s9, s9, $0xb8;
	[tilespmem:$0x12148] =	vst v63  }
0x85: {  	s13 =	rddreg [dreg:$0x12]  }
0x86: {  	[tilespmem:s12], [sflag:$0x3] =	stream.indirect.gather [spmem:s2], $0x80, s13, s9, $0xb8;
	[tilespmem:$0x12148] =	vst v63  }
0x87: {  	s5 =	simm.s32 $0xC0  }
0x88: {  	[tilespmem:s14], [sflag:$0x4] =	stream.indirect.gather [spmem:s2], $0x80, s5, s9, $0xb8;
	[tilespmem:$0x12148] =	vst v63  }
0x89: {  	_ = 	snop  }
0x8a: {  	[tilespmem:s16], [sflag:$0x5] =	stream.indirect.gather [spmem:s2], $0x80, s15, s9, $0xb8;
	[tilespmem:$0x12148] =	vst v63  }
0x8b: {  	_ = 	snop  }
0x8c: {  	[tilespmem:s18], [sflag:$0x6] =	stream.indirect.gather [spmem:s2], $0x80, s17, s9, $0xb8;
	[tilespmem:$0x12148] =	vst v63  }
0x8d: {  	_ = 	snop  }
0x8e: {  	[tilespmem:s20], [sflag:$0x7] =	stream.indirect.gather [spmem:s2], $0x80, s19, s9, $0xb8;
	[tilespmem:$0x12148] =	vst v63  }
0x8f: {  	_ = 	snop  }
0x90: {  	[tilespmem:s22], [sflag:$0x8] =	stream.indirect.gather [spmem:s2], $0x80, s21, s9, $0xb8;
	[tilespmem:$0x12148] =	vst v63  }
0x91: {  	_ =	swait.ge [sflag:s23], $0x2000  }
0x92: {  	[sflag:s23] =	ssyncset.done $0x0  }
0x93: {  	[sflag:s23] =	ssyncadd.s32 $0xFFFFE000  }
0x94: {  	[hbm4b:s4+s3] =	stream.linear.scatter [tilespmem:s10], [sflag:$0x9], $0x2000, $0x38;
	[tilespmem:$0x12148] =	vst v63  }
0x95: {  	_ =	swait.ge [sflag:s24], $0x2000  }
0x96: {  	[sflag:s24] =	ssyncset.done $0x0  }
0x97: {  	s13 =	rddreg [dreg:$0x8];
	[sflag:s24] =	ssyncadd.s32 $0xFFFFE000  }
0x98: {  	[hbm4b:s13+s3] =	stream.linear.scatter [tilespmem:s11], [sflag:$0x9], $0x2000, $0x38;
	[tilespmem:$0x12148] =	vst v63  }
0x99: {  	_ =	swait.ge [sflag:s25], $0x2000  }
0x9a: {  	[sflag:s25] =	ssyncset.done $0x0  }
0x9b: {  	s5 =	rddreg [dreg:$0x9];
	[sflag:s25] =	ssyncadd.s32 $0xFFFFE000  }
0x9c: {  	[hbm4b:s5+s3] =	stream.linear.scatter [tilespmem:s12], [sflag:$0x9], $0x2000, $0x38;
	[tilespmem:$0x12148] =	vst v63  }
0x9d: {  	_ =	swait.ge [sflag:s26], $0x2000  }
0x9e: {  	[sflag:s26] =	ssyncset.done $0x0  }
0x9f: {  	s13 =	rddreg [dreg:$0xa];
	[sflag:s26] =	ssyncadd.s32 $0xFFFFE000  }
0xa0: {  	[hbm4b:s13+s3] =	stream.linear.scatter [tilespmem:s14], [sflag:$0x9], $0x2000, $0x38;
	[tilespmem:$0x12148] =	vst v63  }
0xa1: {  	_ =	swait.ge [sflag:s28], $0x2000  }
0xa2: {  	[sflag:s28] =	ssyncset.done $0x0  }
0xa3: {  	s5 =	rddreg [dreg:$0xb];
	[sflag:s28] =	ssyncadd.s32 $0xFFFFE000  }
0xa4: {  	[hbm4b:s5+s3] =	stream.linear.scatter [tilespmem:s16], [sflag:$0x9], $0x2000, $0x38;
	[tilespmem:$0x12148] =	vst v63  }
0xa5: {  	_ =	swait.ge [sflag:s29], $0x2000  }
0xa6: {  	[sflag:s29] =	ssyncset.done $0x0  }
0xa7: {  	s13 =	rddreg [dreg:$0xc];
	[sflag:s29] =	ssyncadd.s32 $0xFFFFE000  }
0xa8: {  	[hbm4b:s13+s3] =	stream.linear.scatter [tilespmem:s18], [sflag:$0x9], $0x2000, $0x38;
	[tilespmem:$0x12148] =	vst v63  }
0xa9: {  	_ =	swait.ge [sflag:s30], $0x2000  }
0xaa: {  	[sflag:s30] =	ssyncset.done $0x0  }
0xab: {  	s5 =	rddreg [dreg:$0xd];
	[sflag:s30] =	ssyncadd.s32 $0xFFFFE000  }
0xac: {  	[hbm4b:s5+s3] =	stream.linear.scatter [tilespmem:s20], [sflag:$0x9], $0x2000, $0x38;
	[tilespmem:$0x12148] =	vst v63  }
0xad: {  	_ =	swait.ge [sflag:s31], $0x2000  }
0xae: {  	[sflag:s31] =	ssyncset.done $0x0  }
0xaf: {  	s13 =	rddreg [dreg:$0xe];
	[sflag:s31] =	ssyncadd.s32 $0xFFFFE000  }
0xb0: {  	[hbm4b:s13+s3] =	stream.linear.scatter [tilespmem:s22], [sflag:$0x9], $0x2000, $0x38;
	[tilespmem:$0x12148] =	vst v63  }
0xb1: {  	_ =	swait.ge [sflag:s8], $0x2000  }
0xb2: {  	[sflag:s8] =	ssyncset.done $0x0  }
0xb3: {  	[sflag:s8] =	ssyncadd.s32 $0xFFFFE000  }
0xb4: {  	_ =	swait.ge [sflag:s8], $0x2000  }
0xb5: {  	[sflag:s8] =	ssyncset.done $0x0  }
0xb6: {  	[sflag:s8] =	ssyncadd.s32 $0xFFFFE000  }
0xb7: {  	_ =	swait.ge [sflag:s8], $0x2000  }
0xb8: {  	[sflag:s8] =	ssyncset.done $0x0  }
0xb9: {  	[sflag:s8] =	ssyncadd.s32 $0xFFFFE000  }
0xba: {  	_ =	swait.ge [sflag:s8], $0x2000  }
0xbb: {  	[sflag:s8] =	ssyncset.done $0x0  }
0xbc: {  	[sflag:s8] =	ssyncadd.s32 $0xFFFFE000  }
0xbd: {  	_ =	swait.ge [sflag:s8], $0x2000  }
0xbe: {  	[sflag:s8] =	ssyncset.done $0x0  }
0xbf: {  	s1 =	sadd.s32 $0xFFFFFFFF, s1;
	[sflag:s8] =	ssyncadd.s32 $0xFFFFE000  }
0xc0: {  	p1 =	sne.s32 s1, $0x0;
	_ =	swait.ge [sflag:s8], $0x2000  }
.Ltmp1:
0xc1: {  	[sflag:s8] =	ssyncset.done $0x0;
	(pc) =	sbr.rel @p1 .LBB2_1-.Ltmp1, $4  }
0xc2: {  	[sflag:s8] =	ssyncadd.s32 $0xFFFFE000  }
0xc3: {  	_ =	swait.ge [sflag:s8], $0x2000  }
0xc4: {  	[sflag:s8] =	ssyncset.done $0x0  }
0xc5: {  	[sflag:s8] =	ssyncadd.s32 $0xFFFFE000  }
.LBB2_2:
0xc6: {  	_ =	swait.ge [sflag:s8], $0x2000  }
0xc7: {  	[sflag:s8] =	ssyncset.done $0x0  }
0xc8: {  	[sflag:s8] =	ssyncadd.s32 $0xFFFFE000  }
0xc9: {  	_ =	sfence.sel $0x180000  }
0xca: {  	[bflag:$0x0] =	sbarrier.arrive $0xFFFF  }
0xcb: {  	_ =	strace $0x90000047  }
0xcc: {  	s0 =	stileid.u32;
	[bflag:$0x2] =	sbarrier.arrive $0xFFFF  }
0xcd: {  	p0 =	sne.s32 s0, $0x0;
	s0 =	rddreg [dreg:$0x4]  }
0xce: {  	s0 =	sadd.s32 @!p0 $0x100000, s0  }
0xcf: {  	[sflag:s0] =	ssyncadd.tile.s32 @!p0 $0x1;
	_ =	shalt  }
.Lfunc_end2:
_tile_overlayer_lowered:
.L_overlay_start_2:
0xd0: {  	(tag) =	ssettag $0x2  }
0xd1: {  	s0 =	rddreg [dreg:$0x0];
	s2 =	stileid.u32  }
0xd2: {  	s1 =	rddreg [dreg:$0x1];
	p0 =	sne.s32 s2, $0x0  }
0xd3: {  	s3 =	rddreg [dreg:$0x2];
	[bflag:$0x3] =	sbarrier.arrive $0xFFFF;
	s2 =	simm.s32 @!p0 $0x1C0A  }
0xd4: {  	[timem:s3], [sflag:s2] =	dma.local @!p0 [hbm:s0], s1  }
0xd5: {  	s0 =	simm.s32 @!p0 $0xA  }
0xd6: {  	_ =	swait.ge @!p0 [sflag:s0], s1  }
0xd7: {  	s1 =	ssub.s32 @!p0 $0x0, s1;
	[sflag:s0] =	ssyncset.done @!p0 $0x0  }
0xd8: {  	[sflag:s0] =	ssyncadd.s32 @!p0 s1  }
0xd9: {  	[bflag:$0x3] =	sbarrier.arrive $0xFFFF  }
0xda: {  	_ =	shalt  }

</sc_bundles>
